<compile_context>
chip_gen: v7x
topology: tpu7x:2x2x1
jax: 0.10.2.dev20260603
libtpu: 0.0.44.dev20260713+nightly
codegen_flags: <defaults>
</compile_context>

<pallas_src>
import functools

import jax
import jax.numpy as jnp
from jax import lax
from jax.experimental import pallas as pl
from jax.experimental.pallas import tpu as pltpu
from jax.experimental.pallas import tpu_sc as plsc

_NS = 16
_NC = 2
_NW = _NC * _NS
_CHUNK = 64
_W = 144


def _tc_message_ffn(x_ref, w_ref, b_ref, o_ref):
    t = jnp.tanh(
        jnp.dot(x_ref[...], w_ref[...], preferred_element_type=jnp.float32)
        + b_ref[...]
    )
    ones = jnp.ones((t.shape[0], _W - t.shape[1]), jnp.float32)
    o_ref[...] = jnp.concatenate([t, ones], axis=1)


def _tc_update_ffn(x_ref, p_ref, w2a_ref, w2b_ref, b_ref, o_ref):
    ssum = p_ref[0] + p_ref[1]
    cnt = jnp.maximum(ssum[:, 128:129], 1.0)
    agg = ssum[:, :128] / cnt
    o_ref[...] = jnp.tanh(
        jnp.dot(x_ref[...], w2a_ref[...], preferred_element_type=jnp.float32)
        + jnp.dot(agg, w2b_ref[...], preferred_element_type=jnp.float32)
        + b_ref[...]
    )


def _make_sc_aggregate(np_, chmax, chs0, chs1):
    stripe = np_ // _NS
    mesh = plsc.VectorSubcoreMesh(core_axis_name="c", subcore_axis_name="s")
    depth = 2

    @functools.partial(
        pl.kernel,
        mesh=mesh,
        out_type=jax.ShapeDtypeStruct((_NC, np_, _W), jnp.float32),
        scratch_types=[
            pltpu.VMEM((chmax, _CHUNK), jnp.int32),
            pltpu.VMEM((depth, _CHUNK), jnp.int32),
            pltpu.VMEM((depth, _CHUNK), jnp.int32),
            [pltpu.VMEM((_CHUNK, _W), jnp.float32) for _ in range(depth)],
            pltpu.VMEM_SHARED((np_, _W), jnp.float32),
            [pltpu.SemaphoreType.DMA for _ in range(depth)],
        ],
        compiler_params=pltpu.CompilerParams(use_tc_tiling_on_sc=False),
    )
    def sc_aggregate(yext, packed, zeros, out, packed_v, nbr_v, dst_v, rows, acc, sems):
        c = lax.axis_index("c")
        s = lax.axis_index("s")
        w = c * _NS + s
        row0 = s * stripe
        my_ch = jnp.where(c == 0, chs0, chs1)
        pltpu.sync_copy(zeros.at[pl.ds(row0, stripe)], acc.at[pl.ds(row0, stripe)])
        pltpu.sync_copy(packed.at[w], packed_v)
        plsc.subcore_barrier()

        def unpack(j, slot):
            for i in range(_CHUNK // 16):
                v = packed_v[j, pl.ds(16 * i, 16)]
                nbr_v[slot, pl.ds(16 * i, 16)] = lax.bitwise_and(v, 0xFFFF)
                dst_v[slot, pl.ds(16 * i, 16)] = lax.shift_right_logical(v, 16)

        def fire(j, slot):
            unpack(j, slot)
            pltpu.async_copy(yext.at[nbr_v.at[slot]], rows[slot], sems[slot])

        for k in range(depth - 1):
            fire(k, k)

        def step(j, slot):
            nxt = (slot + depth - 1) % depth

            @pl.when(j + depth - 1 < my_ch)
            def _():
                fire(j + depth - 1, nxt)

            @pl.when(j < my_ch)
            def _():
                pltpu.make_async_copy(
                    yext.at[nbr_v.at[slot]], rows[slot], sems[slot]
                ).wait()
                pltpu.sync_copy(rows[slot], acc.at[dst_v.at[slot]], add=True)

        def body(q, carry):
            j0 = depth * q
            for k in range(depth):
                step(j0 + k, k)
            return carry

        lax.fori_loop(0, chmax // depth, body, 0)
        plsc.subcore_barrier()
        pltpu.sync_copy(
            acc.at[pl.ds(row0, stripe)], out.at[c, pl.ds(row0, stripe)]
        )

    return sc_aggregate


def kernel(inputs, edges, edge_weights, W1, b1, W2, b2):
    del edge_weights
    _, n, d = inputs.shape
    h = W1.shape[1]
    e = edges.shape[1]

    np_ = ((n + _NS * 8 - 1) // (_NS * 8)) * (_NS * 8)
    frac0 = 0.62
    ct = -(-e // _CHUNK)
    chs0 = max(2, (int(ct * frac0) // (_NS * 2)) * 2)
    chs1 = -(-(ct - _NS * chs0) // _NS)
    chs1 += chs1 % 2
    chmax = max(chs0, chs1)
    ep = _NS * (chs0 + chs1) * _CHUNK

    x = inputs[0]
    xp = jnp.pad(x, ((0, np_ - n), (0, 0)))
    nbr = jnp.pad(edges[1], (0, ep - e))
    dst = jnp.pad(edges[0], (0, ep - e), constant_values=n)
    packed_flat = nbr | (dst << 16)
    pad_val = n << 16
    split = _NS * chs0 * _CHUNK
    part0 = packed_flat[:split].reshape(_NS, chs0, _CHUNK)
    part1 = packed_flat[split:].reshape(_NS, chs1, _CHUNK)
    part0 = jnp.pad(part0, ((0, 0), (0, chmax - chs0), (0, 0)),
                    constant_values=pad_val)
    part1 = jnp.pad(part1, ((0, 0), (0, chmax - chs1), (0, 0)),
                    constant_values=pad_val)
    packed = jnp.concatenate([part0, part1], axis=0)
    zeros = jnp.zeros((np_, _W), jnp.float32)

    yext = pl.pallas_call(
        _tc_message_ffn,
        out_shape=jax.ShapeDtypeStruct((np_, _W), jnp.float32),
    )(xp, W1, b1.reshape(1, h))

    partials = _make_sc_aggregate(np_, chmax, chs0, chs1)(yext, packed, zeros)

    out = pl.pallas_call(
        _tc_update_ffn,
        out_shape=jax.ShapeDtypeStruct((np_, h), jnp.float32),
    )(xp, partials, W2[:d], W2[d:], b2.reshape(1, h))

    return out[:n][None]

# --- scband reference (transcript-rebuilt; emitter-appended) ---
"""Pipeline reference for scband-graph-conv-nn-16578573763457 (READ-ONLY COPY).

The authoritative reference and input builder live on the scoring server;
editing this copy changes nothing except your own understanding.
"""

import jax, jax.numpy as jnp
import numpy as np

B = 1
N = 10000
E = 320000
D = 128
H = 128


def setup_inputs(seed: int = 0) -> dict:
    key = jax.random.key(seed)
    k1, k2, k3, k4, k5 = jax.random.split(key, 5)
    inputs = jax.random.normal(k1, (B, N, D), dtype=jnp.float32)
    edges = jax.random.randint(k2, (2, E), 0, N, dtype=jnp.int32)
    edge_weights = jax.random.uniform(k3, (E,), dtype=jnp.float32)
    # message ffn (hidden_units=[128], tanh dense): D -> H
    W1 = jax.random.normal(k4, (D, H), dtype=jnp.float32) * 0.05
    b1 = jnp.zeros((H,), dtype=jnp.float32)
    # update ffn after concat([inputs, agg], axis=2): (D + H) -> H
    W2 = jax.random.normal(k5, (D + H, H), dtype=jnp.float32) * 0.05
    b2 = jnp.zeros((H,), dtype=jnp.float32)
    return {"inputs": inputs, "edges": edges, "edge_weights": edge_weights,
            "W1": W1, "b1": b1, "W2": W2, "b2": b2}


def reference(inputs, edges, edge_weights, W1, b1, W2, b2):
    # edges[0] = destination (segment) node indices, edges[1] = neighbour indices
    node_idx = edges[0]
    nb_idx = edges[1]
    # gather neighbour representations along the node axis (axis=1): [B, E, D]
    nb_repr = jnp.take(inputs, nb_idx, axis=1)
    # prepare: tanh dense ffn -> messages [B, E, H]
    messages = jnp.tanh(jnp.matmul(nb_repr, W1) + b1)
    # aggregate (mean): transpose to [E, B, H], unsorted segment mean over node_idx
    msgs_t = jnp.transpose(messages, (1, 0, 2))
    num_nodes = inputs.shape[1]
    seg_sum = jax.ops.segment_sum(msgs_t, node_idx, num_segments=num_nodes)
    seg_cnt = jax.ops.segment_sum(jnp.ones((msgs_t.shape[0],), dtype=messages.dtype), node_idx, num_segments=num_nodes)
    seg_cnt = jnp.maximum(seg_cnt, 1.0)
    agg = seg_sum / seg_cnt[:, None, None]
    # transpose back -> [B, N, H]
    agg = jnp.transpose(agg, (1, 0, 2))
    # update: combination_type='concat' -> concat on feature axis, tanh dense ffn
    h = jnp.concatenate([inputs, agg], axis=2)
    out = jnp.tanh(jnp.matmul(h, W2) + b2)
    return out

if __name__ == "__main__":
    import jax
    _d = setup_inputs()
    print(jax.jit(kernel)(*tuple(_d.values())))

</pallas_src>

<mosaic_0001>
#map = affine_map<(d0, d1) -> (0, 0)>
#map1 = affine_map<(d0, d1) -> (0, 0, 0)>
module attributes {stable_mosaic.version = 14 : i64} {
  func.func @sc_aggregate(%arg0: i32, %arg1: i32, %arg2: memref<10112x144xf32, #tpu.memory_space<hbm>>, %arg3: memref<32x192x64xi32, #tpu.memory_space<hbm>>, %arg4: memref<10112x144xf32, #tpu.memory_space<hbm>>, %arg5: memref<2x10112x144xf32, #tpu.memory_space<hbm>>, %arg6: memref<192x64xi32, #tpu.memory_space<vmem>>, %arg7: memref<2x64xi32, #tpu.memory_space<vmem>>, %arg8: memref<2x64xi32, #tpu.memory_space<vmem>>, %arg9: memref<64x144xf32, #tpu.memory_space<vmem>>, %arg10: memref<64x144xf32, #tpu.memory_space<vmem>>, %arg11: memref<10112x144xf32, #tpu.memory_space<vmem_shared>>, %arg12: memref<!tpu.dma_semaphore, #tpu.memory_space<semaphore_mem>>, %arg13: memref<!tpu.dma_semaphore, #tpu.memory_space<semaphore_mem>>) attributes {dimension_semantics = [#tpu.dimension_semantics<core_parallel>, #tpu.dimension_semantics<subcore_parallel>], iteration_bounds = array<i64: 2, 16>, scalar_prefetch = 0 : i64, scratch_operands = 8 : i64, tpu.core_type = #tpu.core_type<sc_vector_subcore>, window_params = [{transform_indices = #map}, {transform_indices = #map1}, {transform_indices = #map}, {transform_indices = #map1}]} {
    %mul3A = arith.constant 16 : i32
    %mul3A_0 = arith.muli %arg0, %mul3A : i32
    %add3A = arith.addi %mul3A_0, %arg1 : i32
    %mul3A_1 = arith.constant 632 : i32
    %mul3A_2 = arith.muli %arg1, %mul3A_1 : i32
    %eq3A = arith.constant 0 : i32
    %eq3A_3 = arith.cmpi eq, %arg0, %eq3A : i32
    %jit3A = arith.constant 192 : i32
    %jit3A_4 = arith.constant 122 : i32
    %select_n3A = arith.select %eq3A_3, %jit3A, %jit3A_4 : i32
    "tpu.region"() ({
      %run_scoped3A = tpu.sem_alloc : memref<!tpu.dma_semaphore, #tpu.memory_space<semaphore_mem>>
      %dma_start3A_105 = arith.constant 0 : i32
      %dma_start3A_106 = tpu.memref_slice %arg11[%mul3A_2, %dma_start3A_105] : memref<10112x144xf32, #tpu.memory_space<vmem_shared>> -> memref<632x144xf32, #tpu.memory_space<vmem_shared>>
      %dma_start3A_107 = arith.constant 0 : i32
      %dma_start3A_108 = tpu.memref_slice %arg4[%mul3A_2, %dma_start3A_107] : memref<10112x144xf32, #tpu.memory_space<hbm>> -> memref<632x144xf32, #tpu.memory_space<hbm>>
      tpu.enqueue_dma source(%dma_start3A_108 : memref<632x144xf32, #tpu.memory_space<hbm>>) target(%dma_start3A_106 : memref<632x144xf32, #tpu.memory_space<vmem_shared>>) target_semaphore(%run_scoped3A : memref<!tpu.dma_semaphore, #tpu.memory_space<semaphore_mem>>)
      %dma_wait3A = arith.constant 0 : i32
      %dma_wait3A_109 = tpu.memref_slice %arg11[%mul3A_2, %dma_wait3A] : memref<10112x144xf32, #tpu.memory_space<vmem_shared>> -> memref<632x144xf32, #tpu.memory_space<vmem_shared>>
      %dma_wait3A_110 = arith.constant 0 : i32
      %dma_wait3A_111 = tpu.memref_slice %arg4[%mul3A_2, %dma_wait3A_110] : memref<10112x144xf32, #tpu.memory_space<hbm>> -> memref<632x144xf32, #tpu.memory_space<hbm>>
      tpu.wait_dma2 semaphore(%run_scoped3A : memref<!tpu.dma_semaphore, #tpu.memory_space<semaphore_mem>>) src(%dma_wait3A_111 : memref<632x144xf32, #tpu.memory_space<hbm>>) dst(%dma_wait3A_109 : memref<632x144xf32, #tpu.memory_space<vmem_shared>>)
      tpu.yield
    }) : () -> ()
    "tpu.region"() ({
      %run_scoped3A = tpu.sem_alloc : memref<!tpu.dma_semaphore, #tpu.memory_space<semaphore_mem>>
      %dma_start3A_105 = arith.constant 0 : i32
      %dma_start3A_106 = arith.constant 0 : i32
      %dma_start3A_107 = tpu.memref_slice %arg3[%add3A, %dma_start3A_105, %dma_start3A_106] : memref<32x192x64xi32, #tpu.memory_space<hbm>> -> memref<1x192x64xi32, #tpu.memory_space<hbm>>
      %dma_start3A_108 = tpu.memref_squeeze %dma_start3A_107 : memref<1x192x64xi32, #tpu.memory_space<hbm>> -> memref<192x64xi32, #tpu.memory_space<hbm>>
      %dma_start3A_109 = arith.constant 0 : i32
      %dma_start3A_110 = arith.constant 0 : i32
      %dma_start3A_111 = tpu.memref_slice %arg3[%add3A, %dma_start3A_109, %dma_start3A_110] : memref<32x192x64xi32, #tpu.memory_space<hbm>> -> memref<1x192x64xi32, #tpu.memory_space<hbm>>
      %dma_start3A_112 = tpu.memref_squeeze %dma_start3A_111 : memref<1x192x64xi32, #tpu.memory_space<hbm>> -> memref<192x64xi32, #tpu.memory_space<hbm>>
      tpu.enqueue_dma source(%dma_start3A_112 : memref<192x64xi32, #tpu.memory_space<hbm>>) target(%arg6 : memref<192x64xi32, #tpu.memory_space<vmem>>) target_semaphore(%run_scoped3A : memref<!tpu.dma_semaphore, #tpu.memory_space<semaphore_mem>>)
      %dma_wait3A = arith.constant 0 : i32
      %dma_wait3A_113 = arith.constant 0 : i32
      %dma_wait3A_114 = tpu.memref_slice %arg3[%add3A, %dma_wait3A, %dma_wait3A_113] : memref<32x192x64xi32, #tpu.memory_space<hbm>> -> memref<1x192x64xi32, #tpu.memory_space<hbm>>
      %dma_wait3A_115 = tpu.memref_squeeze %dma_wait3A_114 : memref<1x192x64xi32, #tpu.memory_space<hbm>> -> memref<192x64xi32, #tpu.memory_space<hbm>>
      %dma_wait3A_116 = arith.constant 0 : i32
      %dma_wait3A_117 = arith.constant 0 : i32
      %dma_wait3A_118 = tpu.memref_slice %arg3[%add3A, %dma_wait3A_116, %dma_wait3A_117] : memref<32x192x64xi32, #tpu.memory_space<hbm>> -> memref<1x192x64xi32, #tpu.memory_space<hbm>>
      %dma_wait3A_119 = tpu.memref_squeeze %dma_wait3A_118 : memref<1x192x64xi32, #tpu.memory_space<hbm>> -> memref<192x64xi32, #tpu.memory_space<hbm>>
      tpu.wait_dma2 semaphore(%run_scoped3A : memref<!tpu.dma_semaphore, #tpu.memory_space<semaphore_mem>>) src(%dma_wait3A_119 : memref<192x64xi32, #tpu.memory_space<hbm>>) dst(%arg6 : memref<192x64xi32, #tpu.memory_space<vmem>>)
      tpu.yield
    }) : () -> ()
    %barrier3A = arith.constant 0 : index
    tpu.barrier barrier_id(%barrier3A)
    %get3A = arith.constant 0 : i32
    %get3A_5 = arith.index_cast %get3A : i32 to index
    %get3A_6 = arith.constant 0 : index
    %get3A_7 = tpu.vector_load %arg6[%get3A_5, %get3A_6] {strides = array<i32>} : memref<192x64xi32, #tpu.memory_space<vmem>>, vector<1x16xi32>,
    %get3A_8 = vector.shape_cast %get3A_7 : vector<1x16xi32> to vector<16xi32>
    %and3A = arith.constant 65535 : i32
    %and3A_9 = vector.broadcast %and3A : i32 to vector<16xi32>
    %and3A_10 = arith.andi %get3A_8, %and3A_9 : vector<16xi32>
    %swap3A = arith.constant 0 : i32
    %swap3A_11 = arith.index_cast %swap3A : i32 to index
    %swap3A_12 = arith.constant 0 : index
    %swap3A_13 = tpu.vector_load %arg7[%swap3A_11, %swap3A_12] {strides = array<i32>} : memref<2x64xi32, #tpu.memory_space<vmem>>, vector<1x16xi32>,
    %swap3A_14 = vector.shape_cast %swap3A_13 : vector<1x16xi32> to vector<16xi32>
    %swap3A_15 = vector.shape_cast %and3A_10 : vector<16xi32> to vector<1x16xi32>
    tpu.vector_store %arg7[%swap3A_11, %swap3A_12], %swap3A_15 {strides = array<i32>} : memref<2x64xi32, #tpu.memory_space<vmem>>, vector<1x16xi32>,
    %shift_right_logical3A = arith.constant 16 : i32
    %shift_right_logical3A_16 = vector.broadcast %shift_right_logical3A : i32 to vector<16xi32>
    %shift_right_logical3A_17 = arith.shrui %get3A_8, %shift_right_logical3A_16 : vector<16xi32>
    %swap3A_18 = arith.constant 0 : i32
    %swap3A_19 = arith.index_cast %swap3A_18 : i32 to index
    %swap3A_20 = arith.constant 0 : index
    %swap3A_21 = tpu.vector_load %arg8[%swap3A_19, %swap3A_20] {strides = array<i32>} : memref<2x64xi32, #tpu.memory_space<vmem>>, vector<1x16xi32>,
    %swap3A_22 = vector.shape_cast %swap3A_21 : vector<1x16xi32> to vector<16xi32>
    %swap3A_23 = vector.shape_cast %shift_right_logical3A_17 : vector<16xi32> to vector<1x16xi32>
    tpu.vector_store %arg8[%swap3A_19, %swap3A_20], %swap3A_23 {strides = array<i32>} : memref<2x64xi32, #tpu.memory_space<vmem>>, vector<1x16xi32>,
    %get3A_24 = arith.constant 0 : i32
    %get3A_25 = arith.index_cast %get3A_24 : i32 to index
    %get3A_26 = arith.constant 16 : index
    %get3A_27 = tpu.vector_load %arg6[%get3A_25, %get3A_26] {strides = array<i32>} : memref<192x64xi32, #tpu.memory_space<vmem>>, vector<1x16xi32>,
    %get3A_28 = vector.shape_cast %get3A_27 : vector<1x16xi32> to vector<16xi32>
    %and3A_29 = arith.constant 65535 : i32
    %and3A_30 = vector.broadcast %and3A_29 : i32 to vector<16xi32>
    %and3A_31 = arith.andi %get3A_28, %and3A_30 : vector<16xi32>
    %swap3A_32 = arith.constant 0 : i32
    %swap3A_33 = arith.index_cast %swap3A_32 : i32 to index
    %swap3A_34 = arith.constant 16 : index
    %swap3A_35 = tpu.vector_load %arg7[%swap3A_33, %swap3A_34] {strides = array<i32>} : memref<2x64xi32, #tpu.memory_space<vmem>>, vector<1x16xi32>,
    %swap3A_36 = vector.shape_cast %swap3A_35 : vector<1x16xi32> to vector<16xi32>
    %swap3A_37 = vector.shape_cast %and3A_31 : vector<16xi32> to vector<1x16xi32>
    tpu.vector_store %arg7[%swap3A_33, %swap3A_34], %swap3A_37 {strides = array<i32>} : memref<2x64xi32, #tpu.memory_space<vmem>>, vector<1x16xi32>,
    %shift_right_logical3A_38 = arith.constant 16 : i32
    %shift_right_logical3A_39 = vector.broadcast %shift_right_logical3A_38 : i32 to vector<16xi32>
    %shift_right_logical3A_40 = arith.shrui %get3A_28, %shift_right_logical3A_39 : vector<16xi32>
    %swap3A_41 = arith.constant 0 : i32
    %swap3A_42 = arith.index_cast %swap3A_41 : i32 to index
    %swap3A_43 = arith.constant 16 : index
    %swap3A_44 = tpu.vector_load %arg8[%swap3A_42, %swap3A_43] {strides = array<i32>} : memref<2x64xi32, #tpu.memory_space<vmem>>, vector<1x16xi32>,
    %swap3A_45 = vector.shape_cast %swap3A_44 : vector<1x16xi32> to vector<16xi32>
    %swap3A_46 = vector.shape_cast %shift_right_logical3A_40 : vector<16xi32> to vector<1x16xi32>
    tpu.vector_store %arg8[%swap3A_42, %swap3A_43], %swap3A_46 {strides = array<i32>} : memref<2x64xi32, #tpu.memory_space<vmem>>, vector<1x16xi32>,
    %get3A_47 = arith.constant 0 : i32
    %get3A_48 = arith.index_cast %get3A_47 : i32 to index
    %get3A_49 = arith.constant 32 : index
    %get3A_50 = tpu.vector_load %arg6[%get3A_48, %get3A_49] {strides = array<i32>} : memref<192x64xi32, #tpu.memory_space<vmem>>, vector<1x16xi32>,
    %get3A_51 = vector.shape_cast %get3A_50 : vector<1x16xi32> to vector<16xi32>
    %and3A_52 = arith.constant 65535 : i32
    %and3A_53 = vector.broadcast %and3A_52 : i32 to vector<16xi32>
    %and3A_54 = arith.andi %get3A_51, %and3A_53 : vector<16xi32>
    %swap3A_55 = arith.constant 0 : i32
    %swap3A_56 = arith.index_cast %swap3A_55 : i32 to index
    %swap3A_57 = arith.constant 32 : index
    %swap3A_58 = tpu.vector_load %arg7[%swap3A_56, %swap3A_57] {strides = array<i32>} : memref<2x64xi32, #tpu.memory_space<vmem>>, vector<1x16xi32>,
    %swap3A_59 = vector.shape_cast %swap3A_58 : vector<1x16xi32> to vector<16xi32>
    %swap3A_60 = vector.shape_cast %and3A_54 : vector<16xi32> to vector<1x16xi32>
    tpu.vector_store %arg7[%swap3A_56, %swap3A_57], %swap3A_60 {strides = array<i32>} : memref<2x64xi32, #tpu.memory_space<vmem>>, vector<1x16xi32>,
    %shift_right_logical3A_61 = arith.constant 16 : i32
    %shift_right_logical3A_62 = vector.broadcast %shift_right_logical3A_61 : i32 to vector<16xi32>
    %shift_right_logical3A_63 = arith.shrui %get3A_51, %shift_right_logical3A_62 : vector<16xi32>
    %swap3A_64 = arith.constant 0 : i32
    %swap3A_65 = arith.index_cast %swap3A_64 : i32 to index
    %swap3A_66 = arith.constant 32 : index
    %swap3A_67 = tpu.vector_load %arg8[%swap3A_65, %swap3A_66] {strides = array<i32>} : memref<2x64xi32, #tpu.memory_space<vmem>>, vector<1x16xi32>,
    %swap3A_68 = vector.shape_cast %swap3A_67 : vector<1x16xi32> to vector<16xi32>
    %swap3A_69 = vector.shape_cast %shift_right_logical3A_63 : vector<16xi32> to vector<1x16xi32>
    tpu.vector_store %arg8[%swap3A_65, %swap3A_66], %swap3A_69 {strides = array<i32>} : memref<2x64xi32, #tpu.memory_space<vmem>>, vector<1x16xi32>,
    %get3A_70 = arith.constant 0 : i32
    %get3A_71 = arith.index_cast %get3A_70 : i32 to index
    %get3A_72 = arith.constant 48 : index
    %get3A_73 = tpu.vector_load %arg6[%get3A_71, %get3A_72] {strides = array<i32>} : memref<192x64xi32, #tpu.memory_space<vmem>>, vector<1x16xi32>,
    %get3A_74 = vector.shape_cast %get3A_73 : vector<1x16xi32> to vector<16xi32>
    %and3A_75 = arith.constant 65535 : i32
    %and3A_76 = vector.broadcast %and3A_75 : i32 to vector<16xi32>
    %and3A_77 = arith.andi %get3A_74, %and3A_76 : vector<16xi32>
    %swap3A_78 = arith.constant 0 : i32
    %swap3A_79 = arith.index_cast %swap3A_78 : i32 to index
    %swap3A_80 = arith.constant 48 : index
    %swap3A_81 = tpu.vector_load %arg7[%swap3A_79, %swap3A_80] {strides = array<i32>} : memref<2x64xi32, #tpu.memory_space<vmem>>, vector<1x16xi32>,
    %swap3A_82 = vector.shape_cast %swap3A_81 : vector<1x16xi32> to vector<16xi32>
    %swap3A_83 = vector.shape_cast %and3A_77 : vector<16xi32> to vector<1x16xi32>
    tpu.vector_store %arg7[%swap3A_79, %swap3A_80], %swap3A_83 {strides = array<i32>} : memref<2x64xi32, #tpu.memory_space<vmem>>, vector<1x16xi32>,
    %shift_right_logical3A_84 = arith.constant 16 : i32
    %shift_right_logical3A_85 = vector.broadcast %shift_right_logical3A_84 : i32 to vector<16xi32>
    %shift_right_logical3A_86 = arith.shrui %get3A_74, %shift_right_logical3A_85 : vector<16xi32>
    %swap3A_87 = arith.constant 0 : i32
    %swap3A_88 = arith.index_cast %swap3A_87 : i32 to index
    %swap3A_89 = arith.constant 48 : index
    %swap3A_90 = tpu.vector_load %arg8[%swap3A_88, %swap3A_89] {strides = array<i32>} : memref<2x64xi32, #tpu.memory_space<vmem>>, vector<1x16xi32>,
    %swap3A_91 = vector.shape_cast %swap3A_90 : vector<1x16xi32> to vector<16xi32>
    %swap3A_92 = vector.shape_cast %shift_right_logical3A_86 : vector<16xi32> to vector<1x16xi32>
    tpu.vector_store %arg8[%swap3A_88, %swap3A_89], %swap3A_92 {strides = array<i32>} : memref<2x64xi32, #tpu.memory_space<vmem>>, vector<1x16xi32>,
    %dma_start3A = arith.constant 0 : i32
    %dma_start3A_93 = arith.constant 0 : i32
    %dma_start3A_94 = tpu.memref_slice %arg7[%dma_start3A, %dma_start3A_93] : memref<2x64xi32, #tpu.memory_space<vmem>> -> memref<1x64xi32, #tpu.memory_space<vmem>>
    %dma_start3A_95 = tpu.memref_squeeze %dma_start3A_94 : memref<1x64xi32, #tpu.memory_space<vmem>> -> memref<64xi32, #tpu.memory_space<vmem>>
    %dma_start3A_96 = arith.constant 0 : i32
    %dma_start3A_97 = arith.constant 0 : i32
    %dma_start3A_98 = tpu.memref_slice %arg2[%dma_start3A_96, %dma_start3A_97] : memref<10112x144xf32, #tpu.memory_space<hbm>> -> memref<10112x144xf32, #tpu.memory_space<hbm>>
    tpu.enqueue_indirect_dma source(%dma_start3A_98 : memref<10112x144xf32, #tpu.memory_space<hbm>>) target(%arg9 : memref<64x144xf32, #tpu.memory_space<vmem>>) offsets(%dma_start3A_95 : memref<64xi32, #tpu.memory_space<vmem>>) semaphore(%arg12 : memref<!tpu.dma_semaphore, #tpu.memory_space<semaphore_mem>>)
    %scan3A = arith.constant 0 : i32
    %scan3A_99 = arith.constant 0 : i32
    %scan3A_100 = arith.constant 96 : i32
    %scan3A_101 = arith.addi %scan3A_99, %scan3A_100 : i32
    %scan3A_102 = arith.constant 1 : i32
    scf.for %scan3A_105 = %scan3A_99 to %scan3A_101 step %scan3A_102  : i32 {
      %mul3A_106 = arith.constant 2 : i32
      %mul3A_107 = arith.muli %mul3A_106, %scan3A_105 : i32
      %add3A_108 = arith.constant 0 : i32
      %add3A_109 = arith.addi %mul3A_107, %add3A_108 : i32
      %add3A_110 = arith.constant 2 : i32
      %add3A_111 = arith.addi %add3A_109, %add3A_110 : i32
      %sub3A = arith.constant 1 : i32
      %sub3A_112 = arith.subi %add3A_111, %sub3A : i32
      %lt3A = arith.cmpi slt, %sub3A_112, %select_n3A : i32
      %convert_element_type3A = arith.extui %lt3A : i1 to i32
      %cond3A = arith.constant 0 : i32
      %cond3A_113 = arith.cmpi ne, %convert_element_type3A, %cond3A : i32
      scf.if %cond3A_113 {
        %add3A_132 = arith.constant 2 : i32
        %add3A_133 = arith.addi %add3A_109, %add3A_132 : i32
        %sub3A_134 = arith.constant 1 : i32
        %sub3A_135 = arith.subi %add3A_133, %sub3A_134 : i32
        %get3A_136 = arith.index_cast %sub3A_135 : i32 to index
        %get3A_137 = arith.constant 0 : index
        %get3A_138 = tpu.vector_load %arg6[%get3A_136, %get3A_137] {strides = array<i32>} : memref<192x64xi32, #tpu.memory_space<vmem>>, vector<1x16xi32>,
        %get3A_139 = vector.shape_cast %get3A_138 : vector<1x16xi32> to vector<16xi32>
        %and3A_140 = arith.constant 65535 : i32
        %and3A_141 = vector.broadcast %and3A_140 : i32 to vector<16xi32>
        %and3A_142 = arith.andi %get3A_139, %and3A_141 : vector<16xi32>
        %swap3A_143 = arith.constant 1 : i32
        %swap3A_144 = arith.index_cast %swap3A_143 : i32 to index
        %swap3A_145 = arith.constant 0 : index
        %swap3A_146 = tpu.vector_load %arg7[%swap3A_144, %swap3A_145] {strides = array<i32>} : memref<2x64xi32, #tpu.memory_space<vmem>>, vector<1x16xi32>,
        %swap3A_147 = vector.shape_cast %swap3A_146 : vector<1x16xi32> to vector<16xi32>
        %swap3A_148 = vector.shape_cast %and3A_142 : vector<16xi32> to vector<1x16xi32>
        tpu.vector_store %arg7[%swap3A_144, %swap3A_145], %swap3A_148 {strides = array<i32>} : memref<2x64xi32, #tpu.memory_space<vmem>>, vector<1x16xi32>,
        %shift_right_logical3A_149 = arith.constant 16 : i32
        %shift_right_logical3A_150 = vector.broadcast %shift_right_logical3A_149 : i32 to vector<16xi32>
        %shift_right_logical3A_151 = arith.shrui %get3A_139, %shift_right_logical3A_150 : vector<16xi32>
        %swap3A_152 = arith.constant 1 : i32
        %swap3A_153 = arith.index_cast %swap3A_152 : i32 to index
        %swap3A_154 = arith.constant 0 : index
        %swap3A_155 = tpu.vector_load %arg8[%swap3A_153, %swap3A_154] {strides = array<i32>} : memref<2x64xi32, #tpu.memory_space<vmem>>, vector<1x16xi32>,
        %swap3A_156 = vector.shape_cast %swap3A_155 : vector<1x16xi32> to vector<16xi32>
        %swap3A_157 = vector.shape_cast %shift_right_logical3A_151 : vector<16xi32> to vector<1x16xi32>
        tpu.vector_store %arg8[%swap3A_153, %swap3A_154], %swap3A_157 {strides = array<i32>} : memref<2x64xi32, #tpu.memory_space<vmem>>, vector<1x16xi32>,
        %get3A_158 = arith.index_cast %sub3A_135 : i32 to index
        %get3A_159 = arith.constant 16 : index
        %get3A_160 = tpu.vector_load %arg6[%get3A_158, %get3A_159] {strides = array<i32>} : memref<192x64xi32, #tpu.memory_space<vmem>>, vector<1x16xi32>,
        %get3A_161 = vector.shape_cast %get3A_160 : vector<1x16xi32> to vector<16xi32>
        %and3A_162 = arith.constant 65535 : i32
        %and3A_163 = vector.broadcast %and3A_162 : i32 to vector<16xi32>
        %and3A_164 = arith.andi %get3A_161, %and3A_163 : vector<16xi32>
        %swap3A_165 = arith.constant 1 : i32
        %swap3A_166 = arith.index_cast %swap3A_165 : i32 to index
        %swap3A_167 = arith.constant 16 : index
        %swap3A_168 = tpu.vector_load %arg7[%swap3A_166, %swap3A_167] {strides = array<i32>} : memref<2x64xi32, #tpu.memory_space<vmem>>, vector<1x16xi32>,
        %swap3A_169 = vector.shape_cast %swap3A_168 : vector<1x16xi32> to vector<16xi32>
        %swap3A_170 = vector.shape_cast %and3A_164 : vector<16xi32> to vector<1x16xi32>
        tpu.vector_store %arg7[%swap3A_166, %swap3A_167], %swap3A_170 {strides = array<i32>} : memref<2x64xi32, #tpu.memory_space<vmem>>, vector<1x16xi32>,
        %shift_right_logical3A_171 = arith.constant 16 : i32
        %shift_right_logical3A_172 = vector.broadcast %shift_right_logical3A_171 : i32 to vector<16xi32>
        %shift_right_logical3A_173 = arith.shrui %get3A_161, %shift_right_logical3A_172 : vector<16xi32>
        %swap3A_174 = arith.constant 1 : i32
        %swap3A_175 = arith.index_cast %swap3A_174 : i32 to index
        %swap3A_176 = arith.constant 16 : index
        %swap3A_177 = tpu.vector_load %arg8[%swap3A_175, %swap3A_176] {strides = array<i32>} : memref<2x64xi32, #tpu.memory_space<vmem>>, vector<1x16xi32>,
        %swap3A_178 = vector.shape_cast %swap3A_177 : vector<1x16xi32> to vector<16xi32>
        %swap3A_179 = vector.shape_cast %shift_right_logical3A_173 : vector<16xi32> to vector<1x16xi32>
        tpu.vector_store %arg8[%swap3A_175, %swap3A_176], %swap3A_179 {strides = array<i32>} : memref<2x64xi32, #tpu.memory_space<vmem>>, vector<1x16xi32>,
        %get3A_180 = arith.index_cast %sub3A_135 : i32 to index
        %get3A_181 = arith.constant 32 : index
        %get3A_182 = tpu.vector_load %arg6[%get3A_180, %get3A_181] {strides = array<i32>} : memref<192x64xi32, #tpu.memory_space<vmem>>, vector<1x16xi32>,
        %get3A_183 = vector.shape_cast %get3A_182 : vector<1x16xi32> to vector<16xi32>
        %and3A_184 = arith.constant 65535 : i32
        %and3A_185 = vector.broadcast %and3A_184 : i32 to vector<16xi32>
        %and3A_186 = arith.andi %get3A_183, %and3A_185 : vector<16xi32>
        %swap3A_187 = arith.constant 1 : i32
        %swap3A_188 = arith.index_cast %swap3A_187 : i32 to index
        %swap3A_189 = arith.constant 32 : index
        %swap3A_190 = tpu.vector_load %arg7[%swap3A_188, %swap3A_189] {strides = array<i32>} : memref<2x64xi32, #tpu.memory_space<vmem>>, vector<1x16xi32>,
        %swap3A_191 = vector.shape_cast %swap3A_190 : vector<1x16xi32> to vector<16xi32>
        %swap3A_192 = vector.shape_cast %and3A_186 : vector<16xi32> to vector<1x16xi32>
        tpu.vector_store %arg7[%swap3A_188, %swap3A_189], %swap3A_192 {strides = array<i32>} : memref<2x64xi32, #tpu.memory_space<vmem>>, vector<1x16xi32>,
        %shift_right_logical3A_193 = arith.constant 16 : i32
        %shift_right_logical3A_194 = vector.broadcast %shift_right_logical3A_193 : i32 to vector<16xi32>
        %shift_right_logical3A_195 = arith.shrui %get3A_183, %shift_right_logical3A_194 : vector<16xi32>
        %swap3A_196 = arith.constant 1 : i32
        %swap3A_197 = arith.index_cast %swap3A_196 : i32 to index
        %swap3A_198 = arith.constant 32 : index
        %swap3A_199 = tpu.vector_load %arg8[%swap3A_197, %swap3A_198] {strides = array<i32>} : memref<2x64xi32, #tpu.memory_space<vmem>>, vector<1x16xi32>,
        %swap3A_200 = vector.shape_cast %swap3A_199 : vector<1x16xi32> to vector<16xi32>
        %swap3A_201 = vector.shape_cast %shift_right_logical3A_195 : vector<16xi32> to vector<1x16xi32>
        tpu.vector_store %arg8[%swap3A_197, %swap3A_198], %swap3A_201 {strides = array<i32>} : memref<2x64xi32, #tpu.memory_space<vmem>>, vector<1x16xi32>,
        %get3A_202 = arith.index_cast %sub3A_135 : i32 to index
        %get3A_203 = arith.constant 48 : index
        %get3A_204 = tpu.vector_load %arg6[%get3A_202, %get3A_203] {strides = array<i32>} : memref<192x64xi32, #tpu.memory_space<vmem>>, vector<1x16xi32>,
        %get3A_205 = vector.shape_cast %get3A_204 : vector<1x16xi32> to vector<16xi32>
        %and3A_206 = arith.constant 65535 : i32
        %and3A_207 = vector.broadcast %and3A_206 : i32 to vector<16xi32>
        %and3A_208 = arith.andi %get3A_205, %and3A_207 : vector<16xi32>
        %swap3A_209 = arith.constant 1 : i32
        %swap3A_210 = arith.index_cast %swap3A_209 : i32 to index
        %swap3A_211 = arith.constant 48 : index
        %swap3A_212 = tpu.vector_load %arg7[%swap3A_210, %swap3A_211] {strides = array<i32>} : memref<2x64xi32, #tpu.memory_space<vmem>>, vector<1x16xi32>,
        %swap3A_213 = vector.shape_cast %swap3A_212 : vector<1x16xi32> to vector<16xi32>
        %swap3A_214 = vector.shape_cast %and3A_208 : vector<16xi32> to vector<1x16xi32>
        tpu.vector_store %arg7[%swap3A_210, %swap3A_211], %swap3A_214 {strides = array<i32>} : memref<2x64xi32, #tpu.memory_space<vmem>>, vector<1x16xi32>,
        %shift_right_logical3A_215 = arith.constant 16 : i32
        %shift_right_logical3A_216 = vector.broadcast %shift_right_logical3A_215 : i32 to vector<16xi32>
        %shift_right_logical3A_217 = arith.shrui %get3A_205, %shift_right_logical3A_216 : vector<16xi32>
        %swap3A_218 = arith.constant 1 : i32
        %swap3A_219 = arith.index_cast %swap3A_218 : i32 to index
        %swap3A_220 = arith.constant 48 : index
        %swap3A_221 = tpu.vector_load %arg8[%swap3A_219, %swap3A_220] {strides = array<i32>} : memref<2x64xi32, #tpu.memory_space<vmem>>, vector<1x16xi32>,
        %swap3A_222 = vector.shape_cast %swap3A_221 : vector<1x16xi32> to vector<16xi32>
        %swap3A_223 = vector.shape_cast %shift_right_logical3A_217 : vector<16xi32> to vector<1x16xi32>
        tpu.vector_store %arg8[%swap3A_219, %swap3A_220], %swap3A_223 {strides = array<i32>} : memref<2x64xi32, #tpu.memory_space<vmem>>, vector<1x16xi32>,
        %dma_start3A_224 = arith.constant 1 : i32
        %dma_start3A_225 = arith.constant 0 : i32
        %dma_start3A_226 = tpu.memref_slice %arg7[%dma_start3A_224, %dma_start3A_225] : memref<2x64xi32, #tpu.memory_space<vmem>> -> memref<1x64xi32, #tpu.memory_space<vmem>>
        %dma_start3A_227 = tpu.memref_squeeze %dma_start3A_226 : memref<1x64xi32, #tpu.memory_space<vmem>> -> memref<64xi32, #tpu.memory_space<vmem>>
        %dma_start3A_228 = arith.constant 0 : i32
        %dma_start3A_229 = arith.constant 0 : i32
        %dma_start3A_230 = tpu.memref_slice %arg2[%dma_start3A_228, %dma_start3A_229] : memref<10112x144xf32, #tpu.memory_space<hbm>> -> memref<10112x144xf32, #tpu.memory_space<hbm>>
        tpu.enqueue_indirect_dma source(%dma_start3A_230 : memref<10112x144xf32, #tpu.memory_space<hbm>>) target(%arg10 : memref<64x144xf32, #tpu.memory_space<vmem>>) offsets(%dma_start3A_227 : memref<64xi32, #tpu.memory_space<vmem>>) semaphore(%arg13 : memref<!tpu.dma_semaphore, #tpu.memory_space<semaphore_mem>>)
      } else {
      }
      %lt3A_114 = arith.cmpi slt, %add3A_109, %select_n3A : i32
      %convert_element_type3A_115 = arith.extui %lt3A_114 : i1 to i32
      %cond3A_116 = arith.constant 0 : i32
      %cond3A_117 = arith.cmpi ne, %convert_element_type3A_115, %cond3A_116 : i32
      scf.if %cond3A_117 {
        %dma_wait3A = arith.constant 0 : i32
        %dma_wait3A_132 = arith.constant 0 : i32
        %dma_wait3A_133 = tpu.memref_slice %arg7[%dma_wait3A, %dma_wait3A_132] : memref<2x64xi32, #tpu.memory_space<vmem>> -> memref<1x64xi32, #tpu.memory_space<vmem>>
        %dma_wait3A_134 = tpu.memref_squeeze %dma_wait3A_133 : memref<1x64xi32, #tpu.memory_space<vmem>> -> memref<64xi32, #tpu.memory_space<vmem>>
        %dma_wait3A_135 = arith.constant 0 : i32
        %dma_wait3A_136 = arith.constant 0 : i32
        %dma_wait3A_137 = tpu.memref_slice %arg2[%dma_wait3A_135, %dma_wait3A_136] : memref<10112x144xf32, #tpu.memory_space<hbm>> -> memref<10112x144xf32, #tpu.memory_space<hbm>>
        tpu.wait_indirect_dma semaphore(%arg12 : memref<!tpu.dma_semaphore, #tpu.memory_space<semaphore_mem>>) src(%dma_wait3A_137 : memref<10112x144xf32, #tpu.memory_space<hbm>>) dst(%arg9 : memref<64x144xf32, #tpu.memory_space<vmem>>)
        %run_scoped3A = arith.constant 0 : i32
        "tpu.region"() ({
          %run_scoped3A_138 = tpu.sem_alloc : memref<!tpu.dma_semaphore, #tpu.memory_space<semaphore_mem>>
          %dma_start3A_139 = arith.constant 0 : i32
          %dma_start3A_140 = tpu.memref_slice %arg8[%run_scoped3A, %dma_start3A_139] : memref<2x64xi32, #tpu.memory_space<vmem>> -> memref<1x64xi32, #tpu.memory_space<vmem>>
          %dma_start3A_141 = tpu.memref_squeeze %dma_start3A_140 : memref<1x64xi32, #tpu.memory_space<vmem>> -> memref<64xi32, #tpu.memory_space<vmem>>
          %dma_start3A_142 = arith.constant 0 : i32
          %dma_start3A_143 = arith.constant 0 : i32
          %dma_start3A_144 = tpu.memref_slice %arg11[%dma_start3A_142, %dma_start3A_143] : memref<10112x144xf32, #tpu.memory_space<vmem_shared>> -> memref<10112x144xf32, #tpu.memory_space<vmem_shared>>
          tpu.enqueue_indirect_dma source(%arg9 : memref<64x144xf32, #tpu.memory_space<vmem>>) target(%dma_start3A_144 : memref<10112x144xf32, #tpu.memory_space<vmem_shared>>) offsets(%dma_start3A_141 : memref<64xi32, #tpu.memory_space<vmem>>) semaphore(%run_scoped3A_138 : memref<!tpu.dma_semaphore, #tpu.memory_space<semaphore_mem>>) {add = true}
          %dma_wait3A_145 = arith.constant 0 : i32
          %dma_wait3A_146 = tpu.memref_slice %arg8[%run_scoped3A, %dma_wait3A_145] : memref<2x64xi32, #tpu.memory_space<vmem>> -> memref<1x64xi32, #tpu.memory_space<vmem>>
          %dma_wait3A_147 = tpu.memref_squeeze %dma_wait3A_146 : memref<1x64xi32, #tpu.memory_space<vmem>> -> memref<64xi32, #tpu.memory_space<vmem>>
          %dma_wait3A_148 = arith.constant 0 : i32
          %dma_wait3A_149 = arith.constant 0 : i32
          %dma_wait3A_150 = tpu.memref_slice %arg11[%dma_wait3A_148, %dma_wait3A_149] : memref<10112x144xf32, #tpu.memory_space<vmem_shared>> -> memref<10112x144xf32, #tpu.memory_space<vmem_shared>>
          tpu.wait_indirect_dma semaphore(%run_scoped3A_138 : memref<!tpu.dma_semaphore, #tpu.memory_space<semaphore_mem>>) src(%arg9 : memref<64x144xf32, #tpu.memory_space<vmem>>) dst(%dma_wait3A_150 : memref<10112x144xf32, #tpu.memory_space<vmem_shared>>)
          tpu.yield
        }) : () -> ()
      } else {
      }
      %add3A_118 = arith.constant 1 : i32
      %add3A_119 = arith.addi %mul3A_107, %add3A_118 : i32
      %add3A_120 = arith.constant 2 : i32
      %add3A_121 = arith.addi %add3A_119, %add3A_120 : i32
      %sub3A_122 = arith.constant 1 : i32
      %sub3A_123 = arith.subi %add3A_121, %sub3A_122 : i32
      %lt3A_124 = arith.cmpi slt, %sub3A_123, %select_n3A : i32
      %convert_element_type3A_125 = arith.extui %lt3A_124 : i1 to i32
      %cond3A_126 = arith.constant 0 : i32
      %cond3A_127 = arith.cmpi ne, %convert_element_type3A_125, %cond3A_126 : i32
      scf.if %cond3A_127 {
        %add3A_132 = arith.constant 2 : i32
        %add3A_133 = arith.addi %add3A_119, %add3A_132 : i32
        %sub3A_134 = arith.constant 1 : i32
        %sub3A_135 = arith.subi %add3A_133, %sub3A_134 : i32
        %get3A_136 = arith.index_cast %sub3A_135 : i32 to index
        %get3A_137 = arith.constant 0 : index
        %get3A_138 = tpu.vector_load %arg6[%get3A_136, %get3A_137] {strides = array<i32>} : memref<192x64xi32, #tpu.memory_space<vmem>>, vector<1x16xi32>,
        %get3A_139 = vector.shape_cast %get3A_138 : vector<1x16xi32> to vector<16xi32>
        %and3A_140 = arith.constant 65535 : i32
        %and3A_141 = vector.broadcast %and3A_140 : i32 to vector<16xi32>
        %and3A_142 = arith.andi %get3A_139, %and3A_141 : vector<16xi32>
        %swap3A_143 = arith.constant 0 : i32
        %swap3A_144 = arith.index_cast %swap3A_143 : i32 to index
        %swap3A_145 = arith.constant 0 : index
        %swap3A_146 = tpu.vector_load %arg7[%swap3A_144, %swap3A_145] {strides = array<i32>} : memref<2x64xi32, #tpu.memory_space<vmem>>, vector<1x16xi32>,
        %swap3A_147 = vector.shape_cast %swap3A_146 : vector<1x16xi32> to vector<16xi32>
        %swap3A_148 = vector.shape_cast %and3A_142 : vector<16xi32> to vector<1x16xi32>
        tpu.vector_store %arg7[%swap3A_144, %swap3A_145], %swap3A_148 {strides = array<i32>} : memref<2x64xi32, #tpu.memory_space<vmem>>, vector<1x16xi32>,
        %shift_right_logical3A_149 = arith.constant 16 : i32
        %shift_right_logical3A_150 = vector.broadcast %shift_right_logical3A_149 : i32 to vector<16xi32>
        %shift_right_logical3A_151 = arith.shrui %get3A_139, %shift_right_logical3A_150 : vector<16xi32>
        %swap3A_152 = arith.constant 0 : i32
        %swap3A_153 = arith.index_cast %swap3A_152 : i32 to index
        %swap3A_154 = arith.constant 0 : index
        %swap3A_155 = tpu.vector_load %arg8[%swap3A_153, %swap3A_154] {strides = array<i32>} : memref<2x64xi32, #tpu.memory_space<vmem>>, vector<1x16xi32>,
        %swap3A_156 = vector.shape_cast %swap3A_155 : vector<1x16xi32> to vector<16xi32>
        %swap3A_157 = vector.shape_cast %shift_right_logical3A_151 : vector<16xi32> to vector<1x16xi32>
        tpu.vector_store %arg8[%swap3A_153, %swap3A_154], %swap3A_157 {strides = array<i32>} : memref<2x64xi32, #tpu.memory_space<vmem>>, vector<1x16xi32>,
        %get3A_158 = arith.index_cast %sub3A_135 : i32 to index
        %get3A_159 = arith.constant 16 : index
        %get3A_160 = tpu.vector_load %arg6[%get3A_158, %get3A_159] {strides = array<i32>} : memref<192x64xi32, #tpu.memory_space<vmem>>, vector<1x16xi32>,
        %get3A_161 = vector.shape_cast %get3A_160 : vector<1x16xi32> to vector<16xi32>
        %and3A_162 = arith.constant 65535 : i32
        %and3A_163 = vector.broadcast %and3A_162 : i32 to vector<16xi32>
        %and3A_164 = arith.andi %get3A_161, %and3A_163 : vector<16xi32>
        %swap3A_165 = arith.constant 0 : i32
        %swap3A_166 = arith.index_cast %swap3A_165 : i32 to index
        %swap3A_167 = arith.constant 16 : index
        %swap3A_168 = tpu.vector_load %arg7[%swap3A_166, %swap3A_167] {strides = array<i32>} : memref<2x64xi32, #tpu.memory_space<vmem>>, vector<1x16xi32>,
        %swap3A_169 = vector.shape_cast %swap3A_168 : vector<1x16xi32> to vector<16xi32>
        %swap3A_170 = vector.shape_cast %and3A_164 : vector<16xi32> to vector<1x16xi32>
        tpu.vector_store %arg7[%swap3A_166, %swap3A_167], %swap3A_170 {strides = array<i32>} : memref<2x64xi32, #tpu.memory_space<vmem>>, vector<1x16xi32>,
        %shift_right_logical3A_171 = arith.constant 16 : i32
        %shift_right_logical3A_172 = vector.broadcast %shift_right_logical3A_171 : i32 to vector<16xi32>
        %shift_right_logical3A_173 = arith.shrui %get3A_161, %shift_right_logical3A_172 : vector<16xi32>
        %swap3A_174 = arith.constant 0 : i32
        %swap3A_175 = arith.index_cast %swap3A_174 : i32 to index
        %swap3A_176 = arith.constant 16 : index
        %swap3A_177 = tpu.vector_load %arg8[%swap3A_175, %swap3A_176] {strides = array<i32>} : memref<2x64xi32, #tpu.memory_space<vmem>>, vector<1x16xi32>,
        %swap3A_178 = vector.shape_cast %swap3A_177 : vector<1x16xi32> to vector<16xi32>
        %swap3A_179 = vector.shape_cast %shift_right_logical3A_173 : vector<16xi32> to vector<1x16xi32>
        tpu.vector_store %arg8[%swap3A_175, %swap3A_176], %swap3A_179 {strides = array<i32>} : memref<2x64xi32, #tpu.memory_space<vmem>>, vector<1x16xi32>,
        %get3A_180 = arith.index_cast %sub3A_135 : i32 to index
        %get3A_181 = arith.constant 32 : index
        %get3A_182 = tpu.vector_load %arg6[%get3A_180, %get3A_181] {strides = array<i32>} : memref<192x64xi32, #tpu.memory_space<vmem>>, vector<1x16xi32>,
        %get3A_183 = vector.shape_cast %get3A_182 : vector<1x16xi32> to vector<16xi32>
        %and3A_184 = arith.constant 65535 : i32
        %and3A_185 = vector.broadcast %and3A_184 : i32 to vector<16xi32>
        %and3A_186 = arith.andi %get3A_183, %and3A_185 : vector<16xi32>
        %swap3A_187 = arith.constant 0 : i32
        %swap3A_188 = arith.index_cast %swap3A_187 : i32 to index
        %swap3A_189 = arith.constant 32 : index
        %swap3A_190 = tpu.vector_load %arg7[%swap3A_188, %swap3A_189] {strides = array<i32>} : memref<2x64xi32, #tpu.memory_space<vmem>>, vector<1x16xi32>,
        %swap3A_191 = vector.shape_cast %swap3A_190 : vector<1x16xi32> to vector<16xi32>
        %swap3A_192 = vector.shape_cast %and3A_186 : vector<16xi32> to vector<1x16xi32>
        tpu.vector_store %arg7[%swap3A_188, %swap3A_189], %swap3A_192 {strides = array<i32>} : memref<2x64xi32, #tpu.memory_space<vmem>>, vector<1x16xi32>,
        %shift_right_logical3A_193 = arith.constant 16 : i32
        %shift_right_logical3A_194 = vector.broadcast %shift_right_logical3A_193 : i32 to vector<16xi32>
        %shift_right_logical3A_195 = arith.shrui %get3A_183, %shift_right_logical3A_194 : vector<16xi32>
        %swap3A_196 = arith.constant 0 : i32
        %swap3A_197 = arith.index_cast %swap3A_196 : i32 to index
        %swap3A_198 = arith.constant 32 : index
        %swap3A_199 = tpu.vector_load %arg8[%swap3A_197, %swap3A_198] {strides = array<i32>} : memref<2x64xi32, #tpu.memory_space<vmem>>, vector<1x16xi32>,
        %swap3A_200 = vector.shape_cast %swap3A_199 : vector<1x16xi32> to vector<16xi32>
        %swap3A_201 = vector.shape_cast %shift_right_logical3A_195 : vector<16xi32> to vector<1x16xi32>
        tpu.vector_store %arg8[%swap3A_197, %swap3A_198], %swap3A_201 {strides = array<i32>} : memref<2x64xi32, #tpu.memory_space<vmem>>, vector<1x16xi32>,
        %get3A_202 = arith.index_cast %sub3A_135 : i32 to index
        %get3A_203 = arith.constant 48 : index
        %get3A_204 = tpu.vector_load %arg6[%get3A_202, %get3A_203] {strides = array<i32>} : memref<192x64xi32, #tpu.memory_space<vmem>>, vector<1x16xi32>,
        %get3A_205 = vector.shape_cast %get3A_204 : vector<1x16xi32> to vector<16xi32>
        %and3A_206 = arith.constant 65535 : i32
        %and3A_207 = vector.broadcast %and3A_206 : i32 to vector<16xi32>
        %and3A_208 = arith.andi %get3A_205, %and3A_207 : vector<16xi32>
        %swap3A_209 = arith.constant 0 : i32
        %swap3A_210 = arith.index_cast %swap3A_209 : i32 to index
        %swap3A_211 = arith.constant 48 : index
        %swap3A_212 = tpu.vector_load %arg7[%swap3A_210, %swap3A_211] {strides = array<i32>} : memref<2x64xi32, #tpu.memory_space<vmem>>, vector<1x16xi32>,
        %swap3A_213 = vector.shape_cast %swap3A_212 : vector<1x16xi32> to vector<16xi32>
        %swap3A_214 = vector.shape_cast %and3A_208 : vector<16xi32> to vector<1x16xi32>
        tpu.vector_store %arg7[%swap3A_210, %swap3A_211], %swap3A_214 {strides = array<i32>} : memref<2x64xi32, #tpu.memory_space<vmem>>, vector<1x16xi32>,
        %shift_right_logical3A_215 = arith.constant 16 : i32
        %shift_right_logical3A_216 = vector.broadcast %shift_right_logical3A_215 : i32 to vector<16xi32>
        %shift_right_logical3A_217 = arith.shrui %get3A_205, %shift_right_logical3A_216 : vector<16xi32>
        %swap3A_218 = arith.constant 0 : i32
        %swap3A_219 = arith.index_cast %swap3A_218 : i32 to index
        %swap3A_220 = arith.constant 48 : index
        %swap3A_221 = tpu.vector_load %arg8[%swap3A_219, %swap3A_220] {strides = array<i32>} : memref<2x64xi32, #tpu.memory_space<vmem>>, vector<1x16xi32>,
        %swap3A_222 = vector.shape_cast %swap3A_221 : vector<1x16xi32> to vector<16xi32>
        %swap3A_223 = vector.shape_cast %shift_right_logical3A_217 : vector<16xi32> to vector<1x16xi32>
        tpu.vector_store %arg8[%swap3A_219, %swap3A_220], %swap3A_223 {strides = array<i32>} : memref<2x64xi32, #tpu.memory_space<vmem>>, vector<1x16xi32>,
        %dma_start3A_224 = arith.constant 0 : i32
        %dma_start3A_225 = arith.constant 0 : i32
        %dma_start3A_226 = tpu.memref_slice %arg7[%dma_start3A_224, %dma_start3A_225] : memref<2x64xi32, #tpu.memory_space<vmem>> -> memref<1x64xi32, #tpu.memory_space<vmem>>
        %dma_start3A_227 = tpu.memref_squeeze %dma_start3A_226 : memref<1x64xi32, #tpu.memory_space<vmem>> -> memref<64xi32, #tpu.memory_space<vmem>>
        %dma_start3A_228 = arith.constant 0 : i32
        %dma_start3A_229 = arith.constant 0 : i32
        %dma_start3A_230 = tpu.memref_slice %arg2[%dma_start3A_228, %dma_start3A_229] : memref<10112x144xf32, #tpu.memory_space<hbm>> -> memref<10112x144xf32, #tpu.memory_space<hbm>>
        tpu.enqueue_indirect_dma source(%dma_start3A_230 : memref<10112x144xf32, #tpu.memory_space<hbm>>) target(%arg9 : memref<64x144xf32, #tpu.memory_space<vmem>>) offsets(%dma_start3A_227 : memref<64xi32, #tpu.memory_space<vmem>>) semaphore(%arg12 : memref<!tpu.dma_semaphore, #tpu.memory_space<semaphore_mem>>)
      } else {
      }
      %lt3A_128 = arith.cmpi slt, %add3A_119, %select_n3A : i32
      %convert_element_type3A_129 = arith.extui %lt3A_128 : i1 to i32
      %cond3A_130 = arith.constant 0 : i32
      %cond3A_131 = arith.cmpi ne, %convert_element_type3A_129, %cond3A_130 : i32
      scf.if %cond3A_131 {
        %dma_wait3A = arith.constant 1 : i32
        %dma_wait3A_132 = arith.constant 0 : i32
        %dma_wait3A_133 = tpu.memref_slice %arg7[%dma_wait3A, %dma_wait3A_132] : memref<2x64xi32, #tpu.memory_space<vmem>> -> memref<1x64xi32, #tpu.memory_space<vmem>>
        %dma_wait3A_134 = tpu.memref_squeeze %dma_wait3A_133 : memref<1x64xi32, #tpu.memory_space<vmem>> -> memref<64xi32, #tpu.memory_space<vmem>>
        %dma_wait3A_135 = arith.constant 0 : i32
        %dma_wait3A_136 = arith.constant 0 : i32
        %dma_wait3A_137 = tpu.memref_slice %arg2[%dma_wait3A_135, %dma_wait3A_136] : memref<10112x144xf32, #tpu.memory_space<hbm>> -> memref<10112x144xf32, #tpu.memory_space<hbm>>
        tpu.wait_indirect_dma semaphore(%arg13 : memref<!tpu.dma_semaphore, #tpu.memory_space<semaphore_mem>>) src(%dma_wait3A_137 : memref<10112x144xf32, #tpu.memory_space<hbm>>) dst(%arg10 : memref<64x144xf32, #tpu.memory_space<vmem>>)
        %run_scoped3A = arith.constant 1 : i32
        "tpu.region"() ({
          %run_scoped3A_138 = tpu.sem_alloc : memref<!tpu.dma_semaphore, #tpu.memory_space<semaphore_mem>>
          %dma_start3A_139 = arith.constant 0 : i32
          %dma_start3A_140 = tpu.memref_slice %arg8[%run_scoped3A, %dma_start3A_139] : memref<2x64xi32, #tpu.memory_space<vmem>> -> memref<1x64xi32, #tpu.memory_space<vmem>>
          %dma_start3A_141 = tpu.memref_squeeze %dma_start3A_140 : memref<1x64xi32, #tpu.memory_space<vmem>> -> memref<64xi32, #tpu.memory_space<vmem>>
          %dma_start3A_142 = arith.constant 0 : i32
          %dma_start3A_143 = arith.constant 0 : i32
          %dma_start3A_144 = tpu.memref_slice %arg11[%dma_start3A_142, %dma_start3A_143] : memref<10112x144xf32, #tpu.memory_space<vmem_shared>> -> memref<10112x144xf32, #tpu.memory_space<vmem_shared>>
          tpu.enqueue_indirect_dma source(%arg10 : memref<64x144xf32, #tpu.memory_space<vmem>>) target(%dma_start3A_144 : memref<10112x144xf32, #tpu.memory_space<vmem_shared>>) offsets(%dma_start3A_141 : memref<64xi32, #tpu.memory_space<vmem>>) semaphore(%run_scoped3A_138 : memref<!tpu.dma_semaphore, #tpu.memory_space<semaphore_mem>>) {add = true}
          %dma_wait3A_145 = arith.constant 0 : i32
          %dma_wait3A_146 = tpu.memref_slice %arg8[%run_scoped3A, %dma_wait3A_145] : memref<2x64xi32, #tpu.memory_space<vmem>> -> memref<1x64xi32, #tpu.memory_space<vmem>>
          %dma_wait3A_147 = tpu.memref_squeeze %dma_wait3A_146 : memref<1x64xi32, #tpu.memory_space<vmem>> -> memref<64xi32, #tpu.memory_space<vmem>>
          %dma_wait3A_148 = arith.constant 0 : i32
          %dma_wait3A_149 = arith.constant 0 : i32
          %dma_wait3A_150 = tpu.memref_slice %arg11[%dma_wait3A_148, %dma_wait3A_149] : memref<10112x144xf32, #tpu.memory_space<vmem_shared>> -> memref<10112x144xf32, #tpu.memory_space<vmem_shared>>
          tpu.wait_indirect_dma semaphore(%run_scoped3A_138 : memref<!tpu.dma_semaphore, #tpu.memory_space<semaphore_mem>>) src(%arg10 : memref<64x144xf32, #tpu.memory_space<vmem>>) dst(%dma_wait3A_150 : memref<10112x144xf32, #tpu.memory_space<vmem_shared>>)
          tpu.yield
        }) : () -> ()
      } else {
      }
    }
    %scan3A_103 = arith.constant 96 : i32
    %barrier3A_104 = arith.constant 0 : index
    tpu.barrier barrier_id(%barrier3A_104)
    "tpu.region"() ({
      %run_scoped3A = tpu.sem_alloc : memref<!tpu.dma_semaphore, #tpu.memory_space<semaphore_mem>>
      %dma_start3A_105 = arith.constant 0 : i32
      %dma_start3A_106 = tpu.memref_slice %arg5[%arg0, %mul3A_2, %dma_start3A_105] : memref<2x10112x144xf32, #tpu.memory_space<hbm>> -> memref<1x632x144xf32, #tpu.memory_space<hbm>>
      %dma_start3A_107 = tpu.memref_squeeze %dma_start3A_106 : memref<1x632x144xf32, #tpu.memory_space<hbm>> -> memref<632x144xf32, #tpu.memory_space<hbm>>
      %dma_start3A_108 = arith.constant 0 : i32
      %dma_start3A_109 = tpu.memref_slice %arg11[%mul3A_2, %dma_start3A_108] : memref<10112x144xf32, #tpu.memory_space<vmem_shared>> -> memref<632x144xf32, #tpu.memory_space<vmem_shared>>
      tpu.enqueue_dma source(%dma_start3A_109 : memref<632x144xf32, #tpu.memory_space<vmem_shared>>) target(%dma_start3A_107 : memref<632x144xf32, #tpu.memory_space<hbm>>) target_semaphore(%run_scoped3A : memref<!tpu.dma_semaphore, #tpu.memory_space<semaphore_mem>>)
      %dma_wait3A = arith.constant 0 : i32
      %dma_wait3A_110 = tpu.memref_slice %arg5[%arg0, %mul3A_2, %dma_wait3A] : memref<2x10112x144xf32, #tpu.memory_space<hbm>> -> memref<1x632x144xf32, #tpu.memory_space<hbm>>
      %dma_wait3A_111 = tpu.memref_squeeze %dma_wait3A_110 : memref<1x632x144xf32, #tpu.memory_space<hbm>> -> memref<632x144xf32, #tpu.memory_space<hbm>>
      %dma_wait3A_112 = arith.constant 0 : i32
      %dma_wait3A_113 = tpu.memref_slice %arg11[%mul3A_2, %dma_wait3A_112] : memref<10112x144xf32, #tpu.memory_space<vmem_shared>> -> memref<632x144xf32, #tpu.memory_space<vmem_shared>>
      tpu.wait_dma2 semaphore(%run_scoped3A : memref<!tpu.dma_semaphore, #tpu.memory_space<semaphore_mem>>) src(%dma_wait3A_113 : memref<632x144xf32, #tpu.memory_space<vmem_shared>>) dst(%dma_wait3A_111 : memref<632x144xf32, #tpu.memory_space<hbm>>)
      tpu.yield
    }) : () -> ()
    return
  }
}

module attributes {stable_mosaic.version = 14 : i64} {
  func.func @_tc_message_ffn(%arg0: memref<10112x128xf32, #tpu.memory_space<vmem>>, %arg1: memref<128x128xf32, #tpu.memory_space<vmem>>, %arg2: memref<1x128xf32, #tpu.memory_space<vmem>>, %arg3: memref<10112x144xf32, #tpu.memory_space<vmem>>) attributes {dimension_semantics = [], scalar_prefetch = 0 : i64, scratch_operands = 0 : i64, tpu.core_type = #tpu.core_type<tc>} {
    %get3A = arith.constant 0 : index
    %get3A_0 = arith.constant 0 : index
    %get3A_1 = vector.load %arg0[%get3A, %get3A_0] : memref<10112x128xf32, #tpu.memory_space<vmem>>, vector<10112x128xf32>
    %get3A_2 = arith.constant 0 : index
    %get3A_3 = arith.constant 0 : index
    %get3A_4 = vector.load %arg1[%get3A_2, %get3A_3] : memref<128x128xf32, #tpu.memory_space<vmem>>, vector<128x128xf32>
    %dot_general3A = arith.constant dense<0.000000e+00> : vector<10112x128xf32>
    %dot_general3A_5 = tpu.matmul %get3A_1, %get3A_4, %dot_general3A {dimension_numbers = #tpu.dot_dimension_numbers<[1], [0], [0], [1], [0, 0, 1, 1], [], []>, transpose_lhs_hint = false} : vector<10112x128xf32>, vector<128x128xf32>, vector<10112x128xf32> -> vector<10112x128xf32>
    %get3A_6 = arith.constant 0 : index
    %get3A_7 = arith.constant 0 : index
    %get3A_8 = vector.load %arg2[%get3A_6, %get3A_7] : memref<1x128xf32, #tpu.memory_space<vmem>>, vector<1x128xf32>
    %add3A = vector.broadcast %get3A_8 : vector<1x128xf32> to vector<10112x128xf32>
    %add3A_9 = arith.addf %dot_general3A_5, %add3A : vector<10112x128xf32>
    %tanh3A = math.tanh %add3A_9 : vector<10112x128xf32>
    %broadcast_in_dim3A = arith.constant 1.000000e+00 : f32
    %broadcast_in_dim3A_10 = vector.broadcast %broadcast_in_dim3A : f32 to vector<10112x16xf32>
    %concatenate3A = tpu.concatenate %tanh3A, %broadcast_in_dim3A_10 in 1 : vector<10112x128xf32>, vector<10112x16xf32> -> vector<10112x144xf32>
    %swap3A = arith.constant 0 : index
    %swap3A_11 = arith.constant 0 : index
    %swap3A_12 = vector.load %arg3[%swap3A, %swap3A_11] : memref<10112x144xf32, #tpu.memory_space<vmem>>, vector<10112x144xf32>
    tpu.vector_store %arg3[%swap3A, %swap3A_11], %concatenate3A {strides = array<i32>} : memref<10112x144xf32, #tpu.memory_space<vmem>>, vector<10112x144xf32>,
    return
  }
}

module attributes {stable_mosaic.version = 14 : i64} {
  func.func @_tc_update_ffn(%arg0: memref<10112x128xf32, #tpu.memory_space<vmem>>, %arg1: memref<2x10112x144xf32, #tpu.memory_space<vmem>>, %arg2: memref<128x128xf32, #tpu.memory_space<vmem>>, %arg3: memref<128x128xf32, #tpu.memory_space<vmem>>, %arg4: memref<1x128xf32, #tpu.memory_space<vmem>>, %arg5: memref<10112x128xf32, #tpu.memory_space<vmem>>) attributes {dimension_semantics = [], scalar_prefetch = 0 : i64, scratch_operands = 0 : i64, tpu.core_type = #tpu.core_type<tc>} {
    %get3A = arith.constant 0 : index
    %get3A_0 = arith.constant 0 : index
    %get3A_1 = arith.constant 0 : index
    %get3A_2 = vector.load %arg1[%get3A, %get3A_0, %get3A_1] : memref<2x10112x144xf32, #tpu.memory_space<vmem>>, vector<1x10112x144xf32>
    %get3A_3 = vector.shape_cast %get3A_2 : vector<1x10112x144xf32> to vector<10112x144xf32>
    %get3A_4 = arith.constant 1 : index
    %get3A_5 = arith.constant 0 : index
    %get3A_6 = arith.constant 0 : index
    %get3A_7 = vector.load %arg1[%get3A_4, %get3A_5, %get3A_6] : memref<2x10112x144xf32, #tpu.memory_space<vmem>>, vector<1x10112x144xf32>
    %get3A_8 = vector.shape_cast %get3A_7 : vector<1x10112x144xf32> to vector<10112x144xf32>
    %add3A = arith.addf %get3A_3, %get3A_8 : vector<10112x144xf32>
    %slice3A = vector.extract_strided_slice %add3A {offsets = [0, 128], sizes = [10112, 1], strides = [1, 1]} : vector<10112x144xf32> to vector<10112x1xf32>
    %max3A = arith.constant 1.000000e+00 : f32
    %max3A_9 = vector.broadcast %max3A : f32 to vector<10112x1xf32>
    %max3A_10 = arith.maximumf %slice3A, %max3A_9 : vector<10112x1xf32>
    %slice3A_11 = vector.extract_strided_slice %add3A {offsets = [0, 0], sizes = [10112, 128], strides = [1, 1]} : vector<10112x144xf32> to vector<10112x128xf32>
    %div3A = vector.broadcast %max3A_10 : vector<10112x1xf32> to vector<10112x128xf32>
    %div3A_12 = arith.divf %slice3A_11, %div3A : vector<10112x128xf32>
    %get3A_13 = arith.constant 0 : index
    %get3A_14 = arith.constant 0 : index
    %get3A_15 = vector.load %arg0[%get3A_13, %get3A_14] : memref<10112x128xf32, #tpu.memory_space<vmem>>, vector<10112x128xf32>
    %get3A_16 = arith.constant 0 : index
    %get3A_17 = arith.constant 0 : index
    %get3A_18 = vector.load %arg2[%get3A_16, %get3A_17] : memref<128x128xf32, #tpu.memory_space<vmem>>, vector<128x128xf32>
    %dot_general3A = arith.constant dense<0.000000e+00> : vector<10112x128xf32>
    %dot_general3A_19 = tpu.matmul %get3A_15, %get3A_18, %dot_general3A {dimension_numbers = #tpu.dot_dimension_numbers<[1], [0], [0], [1], [0, 0, 1, 1], [], []>, transpose_lhs_hint = false} : vector<10112x128xf32>, vector<128x128xf32>, vector<10112x128xf32> -> vector<10112x128xf32>
    %get3A_20 = arith.constant 0 : index
    %get3A_21 = arith.constant 0 : index
    %get3A_22 = vector.load %arg3[%get3A_20, %get3A_21] : memref<128x128xf32, #tpu.memory_space<vmem>>, vector<128x128xf32>
    %dot_general3A_23 = arith.constant dense<0.000000e+00> : vector<10112x128xf32>
    %dot_general3A_24 = tpu.matmul %div3A_12, %get3A_22, %dot_general3A_23 {dimension_numbers = #tpu.dot_dimension_numbers<[1], [0], [0], [1], [0, 0, 1, 1], [], []>, transpose_lhs_hint = false} : vector<10112x128xf32>, vector<128x128xf32>, vector<10112x128xf32> -> vector<10112x128xf32>
    %add3A_25 = arith.addf %dot_general3A_19, %dot_general3A_24 : vector<10112x128xf32>
    %get3A_26 = arith.constant 0 : index
    %get3A_27 = arith.constant 0 : index
    %get3A_28 = vector.load %arg4[%get3A_26, %get3A_27] : memref<1x128xf32, #tpu.memory_space<vmem>>, vector<1x128xf32>
    %add3A_29 = vector.broadcast %get3A_28 : vector<1x128xf32> to vector<10112x128xf32>
    %add3A_30 = arith.addf %add3A_25, %add3A_29 : vector<10112x128xf32>
    %tanh3A = math.tanh %add3A_30 : vector<10112x128xf32>
    %swap3A = arith.constant 0 : index
    %swap3A_31 = arith.constant 0 : index
    %swap3A_32 = vector.load %arg5[%swap3A, %swap3A_31] : memref<10112x128xf32, #tpu.memory_space<vmem>>, vector<10112x128xf32>
    tpu.vector_store %arg5[%swap3A, %swap3A_31], %tanh3A {strides = array<i32>} : memref<10112x128xf32, #tpu.memory_space<vmem>>, vector<10112x128xf32>,
    return
  }
}

</mosaic_0001>

<sc_bundles>
// kernel: kernel.5.cloned.1.call-start
scs
__scs_entry_jumppad:
0x0: {  	(pc) =	sbr.rel $0x88, $3  }
0x1: {  	(tag) =	ssettag $0x0;
	lr =	simm.s32 $0x1  }
0x2: {  	[smem:$0x3F9B] =	sst lr;
	_ =	strace $0xD0000000  }
0x3: {  	_ = 	snop  }
0x4: {  	_ = 	snop  }
0x5: {  	_ = 	snop  }
0x6: {  	_ = 	snop  }
0x7: {  	_ = 	snop  }
__scs_overlays_trampoline_lowered:
0x8: {  	[smem:$0x3FAA] =	sst s0  }
0x9: {  	[smem:$0x3FAB] =	sst s1  }
0xa: {  	[smem:$0x3FAC] =	sst s2  }
0xb: {  	[smem:$0x3FAD] =	sst s3  }
0xc: {  	[smem:$0x3FAE] =	sst s4  }
0xd: {  	[smem:$0x3FAF] =	sst s5  }
0xe: {  	[smem:$0x3FB0] =	sst s6  }
0xf: {  	[smem:$0x3FB1] =	sst s7  }
0x10: {  	[smem:$0x3FB2] =	sst s8  }
0x11: {  	[smem:$0x3FB3] =	sst s9;
	s0 =	simm.s32 @!p0 $0x0  }
0x12: {  	s1 =	sld [smem:$0x3F99];
	s0 =	simm.s32 @p0 $0x1  }
0x13: {  	[smem:$0x3FB4] =	sst s0;
	s0 =	simm.s32 @!p1 $0x0  }
0x14: {  	s2 =	sld [smem:$0x3F98];
	s0 =	simm.s32 @p1 $0x1  }
0x15: {  	[smem:$0x3FB5] =	sst s0;
	s0 =	simm.s32 @!p2 $0x0  }
0x16: {  	s3 =	sld [smem:$0x3FDB];
	s0 =	simm.s32 @p2 $0x1  }
0x17: {  	s4 =	simm.s32 $0x1BF5;
	[smem:$0x3FB7] =	sst s0  }
0x18: {  	s0 =	sld [smem:$0x3F9A];
	_ =	swait.ge [sflag:s4], $0x0  }
0x19: {  	s7 =	sld [smem:$0x3F9B]  }
0x1a: {  	s8 =	sadd.s32 $0xFFFFE003, lr  }
0x1b: {  	s9 =	sadd.s32 $0xFFFFFEF7, lr;
	s5 =	simm.s32 $0xFFFFFFFF;
	p2 =	slt.u32 s8, $0xFFFFF086  }
0x1c: {  	p1 =	slt.u32 s9, $0xF7A;
	s5 =	simm.s32 @!p2 $0x0  }
0x1d: {  	s5 =	simm.s32 @p1 $0x1;
	p0 =	seq.s32 s7, s2  }
0x1e: {  	s7 =	smul.u32 @!p0 $0xF7A, s2;
	p2 =	seq.s32 @!p0 s5, $0x0  }
0x1f: {  	s9 =	smul.u32 $0xF7A, s1;
	s8 =	simm.s32 @!p0 $0x1BF5;
	p2 =	por !p2, p0  }
0x20: {  	[sflag:s8] =	ssyncset.s32 @!p0 $0xFFFFF086;
	s6 =	sadd.s32 @!p0 s3, s7;
	s7 =	simm.s32 @!p0 $0x108  }
0x21: {  	s3 =	sadd.s32 s3, s9;
	s6 =	sadd.s32 @!p0 $0x88, s6;
	s7 =	simm.s32 @p2 $0x1082  }
0x22: {  	[simem:s7], [sflag:s8] =	dma.local @!p0 [hbm:s6], $0xF7A  }
0x23: {  	s9 =	sor.u32 $0xD0000000, s2;
	s6 =	simm.s32 $0x108;
	_ =	swait.ge @!p0 [sflag:s8], $0x0  }
0x24: {  	s3 =	sadd.s32 $0x88, s3;
	s6 =	simm.s32 @!p1 $0x1082;
	[sflag:s4] =	ssyncset.s32 $0xFFFFF086  }
0x25: {  	[simem:s6], [sflag:s4] =	dma.local [hbm:s3], $0xF7A  }
0x26: {  	[smem:$0x3F9B] =	sst s1;
	(tag) =	ssettag s2;
	_ =	strace s9  }
0x27: {  	s1 =	sld [smem:$0x3FAB]  }
0x28: {  	s2 =	sld [smem:$0x3FAC]  }
0x29: {  	s4 =	sld [smem:$0x3FAE]  }
0x2a: {  	p0 =	seq.s32 s5, $0x0;
	s5 =	sld [smem:$0x3FAF]  }
0x2b: {  	s6 =	sld [smem:$0x3FB0]  }
0x2c: {  	s7 =	sld [smem:$0x3FB1]  }
0x2d: {  	s3 =	simm.s32 $0x108;
	s8 =	sld [smem:$0x3FB2]  }
0x2e: {  	s3 =	simm.s32 @!p0 $0x1082;
	s9 =	sld [smem:$0x3FB3]  }
0x2f: {  	lr =	sadd.s32 s0, s3;
	s0 =	sld [smem:$0x3FAA]  }
0x30: {  	s3 =	sld [smem:$0x3FAD]  }
0x31: {  	[smem:$0x3FB6] =	sst s10  }
0x32: {  	s10 =	sld [smem:$0x3FB4];
	_ =	sdelay $0x3  }
0x33: {  	p0 =	seq.s32 s10, $0x1;
	s10 =	sld [smem:$0x3FB6];
	_ =	sdelay $0x3  }
0x34: {  	[smem:$0x3FB6] =	sst s10  }
0x35: {  	s10 =	sld [smem:$0x3FB5];
	_ =	sdelay $0x3  }
0x36: {  	p1 =	seq.s32 s10, $0x1;
	s10 =	sld [smem:$0x3FB6];
	_ =	sdelay $0x3  }
0x37: {  	[smem:$0x3FB6] =	sst s10  }
0x38: {  	s10 =	sld [smem:$0x3FB7]  }
0x39: {  	_ = 	snop;
	(pc) =	sbr.ind lr, $3  }
0x3a: {  	_ = 	snop  }
0x3b: {  	_ = 	snop  }
0x3c: {  	p2 =	seq.s32 s10, $0x1;
	s10 =	sld [smem:$0x3FB6]  }
0x3d: {  	_ =	shalt  }
0x3e: {  	_ =	shalt  }
0x3f: {  	_ =	shalt  }
0x40: {  	_ =	shalt  }
0x41: {  	_ =	shalt  }
0x42: {  	_ =	shalt  }
0x43: {  	_ =	shalt  }
0x44: {  	_ =	shalt  }
0x45: {  	_ =	shalt  }
0x46: {  	_ =	shalt  }
0x47: {  	_ =	shalt  }
0x48: {  	_ =	shalt  }
0x49: {  	_ =	shalt  }
0x4a: {  	_ =	shalt  }
0x4b: {  	_ =	shalt  }
0x4c: {  	_ =	shalt  }
0x4d: {  	_ =	shalt  }
0x4e: {  	_ =	shalt  }
0x4f: {  	_ =	shalt  }
0x50: {  	_ =	shalt  }
0x51: {  	_ =	shalt  }
0x52: {  	_ =	shalt  }
0x53: {  	_ =	shalt  }
0x54: {  	_ =	shalt  }
0x55: {  	_ =	shalt  }
0x56: {  	_ =	shalt  }
0x57: {  	_ =	shalt  }
0x58: {  	_ =	shalt  }
0x59: {  	_ =	shalt  }
0x5a: {  	_ =	shalt  }
0x5b: {  	_ =	shalt  }
0x5c: {  	_ =	shalt  }
0x5d: {  	_ =	shalt  }
0x5e: {  	_ =	shalt  }
0x5f: {  	_ =	shalt  }
0x60: {  	_ =	shalt  }
0x61: {  	_ =	shalt  }
0x62: {  	_ =	shalt  }
0x63: {  	_ =	shalt  }
0x64: {  	_ =	shalt  }
0x65: {  	_ =	shalt  }
0x66: {  	_ =	shalt  }
0x67: {  	_ =	shalt  }
0x68: {  	_ =	shalt  }
0x69: {  	_ =	shalt  }
0x6a: {  	_ =	shalt  }
0x6b: {  	_ =	shalt  }
0x6c: {  	_ =	shalt  }
0x6d: {  	_ =	shalt  }
0x6e: {  	_ =	shalt  }
0x6f: {  	_ =	shalt  }
0x70: {  	_ =	shalt  }
0x71: {  	_ =	shalt  }
0x72: {  	_ =	shalt  }
0x73: {  	_ =	shalt  }
0x74: {  	_ =	shalt  }
0x75: {  	_ =	shalt  }
0x76: {  	_ =	shalt  }
0x77: {  	_ =	shalt  }
0x78: {  	_ =	shalt  }
0x79: {  	_ =	shalt  }
0x7a: {  	_ =	shalt  }
0x7b: {  	_ =	shalt  }
0x7c: {  	_ =	shalt  }
0x7d: {  	_ =	shalt  }
0x7e: {  	_ =	shalt  }
0x7f: {  	_ =	shalt  }
0x80: {  	_ =	shalt  }
0x81: {  	_ =	shalt  }
0x82: {  	_ =	shalt  }
0x83: {  	_ =	shalt  }
0x84: {  	_ =	shalt  }
0x85: {  	_ =	shalt  }
0x86: {  	_ =	shalt  }
0x87: {  	_ =	shalt  }
.Lfunc_end0:
.L_simem_size_0:
called_computation_lowered:
.L_overlay_start_0:
0x88: {  	s2 =	sld [smem:$0x3FD9]  }
0x89: {  	s3 =	sld [smem:$0x3FFE];
	_ =	sdelay $0x1  }
0x8a: {  	s1 =	srdreg.scid  }
0x8b: {  	s0 =	sand.u32 $0x1, s1  }
0x8c: {  	s17 =	sshll.u32 s0, $0xA;
	s2 =	sadd.s32 s3, s2  }
0x8d: {  	s2 =	sadd.s32 s2, s17  }
0x8e: {  	[smem:$0x3FC2] =	sst s2  }
0x8f: {  	_ = 	snop  }
0x90: {  	s2 =	sld [smem:$0x3FD0];
	(tm) =	ssettm $0x1  }
0x91: {  	s18 =	sld [smem:$0x3FFB];
	_ =	sdelay $0x3  }
0x92: {  	_ =	strace s18  }
0x93: {  	s3 =	sld [smem:$0x3FFC];
	_ =	sdelay $0x3  }
0x94: {  	_ =	strace s3  }
0x95: {  	s3 =	sld [smem:$0x3FFD];
	_ =	sdelay $0x3  }
0x96: {  	_ =	strace s3  }
0x97: {  	_ =	strace $0x8FFFFFFF  }
0x98: {  	s19 =	sld [smem:$0x3FDB];
	_ =	sdelay $0x1  }
0x99: {  	s4 =	simm.s32 $_scs_section_size  }
0x9a: {  	s5 =	simm.s32 $_size__tile_overlayer_lowered;
	s6 =	simm.s32 $_tile_overlayer_lowered  }
0x9b: {  	s22 =	simm.s32 $0x1BFF;
	s21 =	sshll.u32 s6, $0x1;
	s3 =	sadd.s32 s4, s19  }
0x9c: {  	s7 =	simm.s32 $0x0;
	s20 =	sshll.u32 s5, $0x1;
	s5 =	sadd.s32 s21, s3  }
0x9d: {  	[timem:s7], [sflag:s22] =	dma.local [hbm:s5], s20  }
0x9e: {  	_ =	swait.ge [sflag:s22], s20  }
0x9f: {  	s4 =	ssub.s32 $0x0, s20;
	[sflag:s22] =	ssyncset.done $0x0  }
0xa0: {  	[sflag:s22] =	ssyncadd.s32 s4;
	_ =	sdelay $0x1  }
0xa1: {  	s23 =	simm.s32 $0x1B8B  }
0xa2: {  	_ =	swait.ge [sflag:s23], $0x1  }
0xa3: {  	[sflag:s23] =	ssyncset.done $0x0  }
0xa4: {  	s25 =	simm.s32 $0x1B8E;
	s24 =	sld [smem:$0x3FFE];
	[sflag:s23] =	ssyncadd.s32 $0xFFFFFFFF  }
0xa5: {  	s26 =	simm.s32 $execute0_lowered;
	[smem:$0x3FD2] =	sst s25  }
0xa6: {  	s5 =	sshll.u32 s26, $0x1;
	_ =	strace $0x80000046;
	[dreg:$0x1] =	wrdreg $0xFFFFFFFF  }
0xa7: {  	s28 =	simm.s32 $_size_execute0_lowered;
	s3 =	sadd.s32 s3, s5;
	[dreg:$0x0] =	wrdreg $0x0  }
0xa8: {  	s5 =	sshll.u32 s28, $0x1;
	[dreg:$0x2] =	wrdreg s3  }
0xa9: {  	[dreg:$0x3] =	wrdreg s5  }
0xaa: {  	[dreg:$0x4] =	wrdreg $0xC0  }
0xab: {  	_ =	task [dreg:s7], $0x5FFFF  }
0xac: {  	[dreg:$0x1] =	wrdreg $0xFFFFFFFF  }
0xad: {  	[dreg:$0x0] =	wrdreg $0x60  }
0xae: {  	[dreg:$0x2] =	wrdreg s24  }
0xaf: {  	[dreg:$0x3] =	wrdreg s2  }
0xb0: {  	[dreg:$0x4] =	wrdreg $0x79000  }
0xb1: {  	[dreg:$0x5] =	wrdreg $0x9  }
0xb2: {  	_ =	task.clear_ibuf [dreg:s7], $0x6FFFF;
	_ =	strace $0x90000046  }
0xb3: {  	s29 =	simm.s32 $0x9;
	_ =	strace $0x80000048  }
0xb4: {  	_ =	swait.ge [sflag:s29], $0x1  }
0xb5: {  	[sflag:s29] =	ssyncadd.s32 $0xFFFFFFFF  }
0xb6: {  	_ =	strace $0x90000048  }
0xb7: {  	_ =	sfence  }
0xb8: {  	s30 =	sld [smem:$0x0];
	_ =	sdelay $0x2  }
0xb9: {  	s31 =	sshll.u32 s1, $0xD;
	s1 =	sshrl.u32 s1, $0x2  }
0xba: {  	s3 =	sand.u32 $0x4000, s31;
	s1 =	sadd.s32 s1, s30  }
0xbb: {  	s0 =	sor.u32 s3, s0;
	s1 =	sshll.u32 s1, $0x11  }
0xbc: {  	s0 =	sor.u32 s1, s0  }
0xbd: {  	s0 =	sadd.s32 $0x8F2B, s0  }
0xbe: {  	[sflag:s0] =	ssyncadd.remote.s32 $0x1  }
0xbf: {  	_ =	sfence.sel $0xFFFF  }
0xc0: {  	[dreg:$0x0] =	wrdreg $0xFFFFFFFF;
	(pc) =	sbr.abs _section_cstart, $3  }
0xc1: {  	[dreg:$0x1] =	wrdreg $0xFFFFFFFF  }
0xc2: {  	_ =	task.clear_ibuf [dreg:s7], $0x2FFFF;
	_ =	strace $0x9FFFFFFF  }
0xc3: {  	(tm) =	ssettm $0x7FFFFFFF  }
tec
execute0_lowered:
.L_overlay_start_1:
0x0: {  	(tag) =	ssettag $0x1  }
0x1: {  	s5 =	rddreg [dreg:$0x0]  }
0x2: {  	s8 =	rddreg [dreg:$0x1]  }
0x3: {  	s2 =	rddreg [dreg:$0x2]  }
0x4: {  	s0 =	rddreg [dreg:$0x3]  }
0x5: {  	s1 =	stileid.u32;
	s4 =	srdreg.scid;
	s3 =	simm.s32 $0x0  }
0x6: {  	s15 =	simm.s32 $0x3100;
	s16 =	simm.s32 $0x0;
	s6 =	smul.u32 $0x16380, s1  }
0x7: {  	s7 =	sand.u32 $0x1, s4;
	[smem:$0x7FF] =	sst s3;
	s4 =	sadd.s32 $0xE00, s5  }
0x8: {  	s31 =	sshll.u32 s1, $0x6;
	s9 =	smul.u32 $0x163800, s7;
	_ =	strace $0x80000047  }
0x9: {  	s11 =	ssub.s32 $0x2, s7;
	s29 =	sshll.u32 s7, $0x4;
	p0 =	seq.s32 s7, $0x0  }
0xa: {  	s7 =	sor.u32 $0x1C03, s31;
	s10 =	sshrl.u32 s6, $0x3;
	s12 =	sshrl.u32 s11, $0x1  }
0xb: {  	s30 =	sor.u32 s1, s29;
	s14 =	sadd.s32 s6, s2;
	s9 =	sadd.s32 s6, s9  }
0xc: {  	s10 =	sadd.s32 s10, s5;
	s11 =	ssub.s32 s11, s12;
	s13 =	smul.u32 $0x600, s30  }
0xd: {  	s12 =	simm.s32 $0x3;
	s9 =	sshrl.u32 s9, $0x3;
	s6 =	sadd.s32 $0x2D600, s10  }
0xe: {  	s10 =	smax.u32 s11, $0x1;
	s11 =	sshrl.u32 s14, $0x3;
	s14 =	simm.s32 $0x3000  }
0xf: {  	s9 =	sadd.s32 s9, s5;
	s5 =	simm.s32 $0xC0;
	s8 =	sadd.s32 s8, s13  }
0x10: {  	s13 =	simm.s32 $0x40;
	s5 =	simm.s32 @!p0 $0x7A;
	s9 =	sadd.s32 $0x59E00, s9  }
.LBB2_1:
0x11: {  	[spmem:s11], [sflag:s7] =	dma.local [hbm:s6], $0x2C70  }
0x12: {  	_ =	swait.ge [sflag:s12], $0x2C70  }
0x13: {  	[sflag:s12] =	ssyncset.done $0x0  }
0x14: {  	[sflag:s12] =	ssyncadd.s32 $0xFFFFD390  }
0x15: {  	[tilespmem:s3], [sflag:$0x3] =	stream.linear.gather [hbm4b:s8+s3], $0x3000, $0x38;
	[tilespmem:$0x1DC80] =	vst v63  }
0x16: {  	_ =	swait.ge [sflag:s12], $0x3000  }
0x17: {  	[sflag:s12] =	ssyncset.done $0x0  }
0x18: {  	[sflag:s12] =	ssyncadd.s32 $0xFFFFD000  }
0x19: {  	[bflag:$0x0] =	sbarrier.arrive $0xFFFF  }
0x1a: {  	v0 =	vld [tilespmem:$0x0];
	_ =	sdelay $0x1  }
0x1b: {  	v1 =	vld [tilespmem:$0x10];
	_ =	sdelay $0x1  }
0x1c: {  	v2 =	vld [tilespmem:$0x20]  }
0x1d: {  	v3 =	vand.u32 $0xFFFF, v0  }
0x1e: {  	v0 =	vshrl.u32 v0, $0x10;
	[tilespmem:$0x3000] =	vst v3;
	v3 =	vld [tilespmem:$0x30]  }
0x1f: {  	[tilespmem:$0x3080] =	vst v0;
	v0 =	vand.u32 $0xFFFF, v1  }
0x20: {  	[tilespmem:$0x3010] =	vst v0;
	v0 =	vshrl.u32 v1, $0x10  }
0x21: {  	[tilespmem:$0x3090] =	vst v0;
	v0 =	vand.u32 $0xFFFF, v2  }
0x22: {  	[tilespmem:$0x3020] =	vst v0;
	v0 =	vshrl.u32 v2, $0x10  }
0x23: {  	[tilespmem:$0x30A0] =	vst v0;
	v0 =	vand.u32 $0xFFFF, v3  }
0x24: {  	[tilespmem:$0x3030] =	vst v0;
	v0 =	vshrl.u32 v3, $0x10  }
0x25: {  	s17 =	simm.s32 $0x60;
	p0 =	sle.u32 s5, $0x1;
	[tilespmem:$0x30B0] =	vst v0  }
0x26: {  	[tilespmem:s15], [sflag:$0x1] =	stream.indirect.gather [hbm4b:s4+s13], $0x90, s14, s13, $0xb8;
	[tilespmem:$0x1DC80] =	vst v63  }
0x27: {  	v0 =	vld @!p0 [tilespmem:s17+$0xFFFFFFE0];
	_ =	sdelay $0x4  }
0x28: {  	v1 =	vand.u32 @!p0 $0xFFFF, v0  }
0x29: {  	v0 =	vshrl.u32 @!p0 v0, $0x10;
	[tilespmem:$0x3040] =	vst @!p0 v1  }
0x2a: {  	[tilespmem:$0x30C0] =	vst @!p0 v0  }
0x2b: {  	v0 =	vld @!p0 [tilespmem:s17+$0xFFFFFFF0];
	_ =	sdelay $0x4  }
0x2c: {  	v1 =	vand.u32 @!p0 $0xFFFF, v0  }
0x2d: {  	v0 =	vshrl.u32 @!p0 v0, $0x10;
	[tilespmem:$0x3050] =	vst @!p0 v1  }
0x2e: {  	[tilespmem:$0x30D0] =	vst @!p0 v0  }
0x2f: {  	v0 =	vld @!p0 [tilespmem:s17+$0x0];
	_ =	sdelay $0x4  }
0x30: {  	v1 =	vand.u32 @!p0 $0xFFFF, v0  }
0x31: {  	v0 =	vshrl.u32 @!p0 v0, $0x10;
	[tilespmem:$0x3060] =	vst @!p0 v1  }
0x32: {  	[tilespmem:$0x30E0] =	vst @!p0 v0  }
0x33: {  	v0 =	vld @!p0 [tilespmem:s17+$0x10];
	_ =	sdelay $0x4  }
0x34: {  	v1 =	vand.u32 @!p0 $0xFFFF, v0  }
0x35: {  	p1 =	sle.u32 s5, $0x0;
	s19 =	simm.s32 @!p0 $0x40;
	v0 =	vshrl.u32 @!p0 v0, $0x10;
	[tilespmem:$0x3070] =	vst @!p0 v1  }
0x36: {  	s18 =	simm.s32 @!p0 $0x3040;
	s21 =	simm.s32 @!p1 $0x1;
	s20 =	simm.s32 @!p0 $0x5500;
	[tilespmem:$0x30F0] =	vst @!p0 v0  }
0x37: {  	[tilespmem:s20], [sflag:$0x2] =	stream.indirect.gather @!p0 [hbm4b:s4+s19], $0x90, s18, s19, $0xb8;
	[tilespmem:$0x1DC80] =	vst v63  }
0x38: {  	_ =	swait.ge @!p1 [sflag:s21], $0x2400  }
0x39: {  	s22 =	simm.s32 @!p1 $0x40;
	s23 =	simm.s32 @!p1 $0x3080;
	[sflag:s21] =	ssyncset.done @!p1 $0x0  }
0x3a: {  	s24 =	simm.s32 @!p1 $0x3100;
	s18 =	simm.s32 @!p1 $0x4;
	[sflag:s21] =	ssyncadd.s32 @!p1 $0xFFFFDC00  }
0x3b: {  	[spmem:s2] =	stream.indirect.scatter.add.f32 @!p1 [tilespmem:s24], [sflag:$0x4], $0x90, s23, s22, $0xb8;
	[tilespmem:$0x1DC80] =	vst v63  }
0x3c: {  	_ =	swait.ge @!p1 [sflag:s18], $0x2400  }
0x3d: {  	[sflag:s18] =	ssyncset.done @!p1 $0x0  }
0x3e: {  	p2 =	sle.u32 s5, $0x2;
	[sflag:s18] =	ssyncadd.s32 @!p1 $0xFFFFDC00  }
0x3f: {  	v0 =	vld @!p2 [tilespmem:s17+$0x20];
	_ =	sdelay $0x4  }
0x40: {  	v1 =	vand.u32 @!p2 $0xFFFF, v0  }
0x41: {  	v0 =	vshrl.u32 @!p2 v0, $0x10;
	[tilespmem:$0x3000] =	vst @!p2 v1  }
0x42: {  	[tilespmem:$0x3080] =	vst @!p2 v0  }
0x43: {  	v0 =	vld @!p2 [tilespmem:s17+$0x30];
	_ =	sdelay $0x4  }
0x44: {  	v1 =	vand.u32 @!p2 $0xFFFF, v0  }
0x45: {  	v0 =	vshrl.u32 @!p2 v0, $0x10;
	[tilespmem:$0x3010] =	vst @!p2 v1  }
0x46: {  	[tilespmem:$0x3090] =	vst @!p2 v0  }
0x47: {  	v0 =	vld @!p2 [tilespmem:s17+$0x40];
	_ =	sdelay $0x4  }
0x48: {  	v1 =	vand.u32 @!p2 $0xFFFF, v0  }
0x49: {  	v0 =	vshrl.u32 @!p2 v0, $0x10;
	[tilespmem:$0x3020] =	vst @!p2 v1  }
0x4a: {  	[tilespmem:$0x30A0] =	vst @!p2 v0  }
0x4b: {  	v0 =	vld @!p2 [tilespmem:s17+$0x50];
	_ =	sdelay $0x3  }
0x4c: {  	s26 =	simm.s32 @!p2 $0x3000  }
0x4d: {  	s28 =	simm.s32 @!p2 $0x3100;
	s25 =	simm.s32 @!p0 $0x30C0;
	s24 =	simm.s32 @!p2 $0x40;
	v1 =	vand.u32 @!p2 $0xFFFF, v0  }
0x4e: {  	s23 =	simm.s32 @!p0 $0x2;
	s22 =	simm.s32 @!p0 $0x3;
	s18 =	simm.s32 $0x4;
	v0 =	vshrl.u32 @!p2 v0, $0x10;
	[tilespmem:$0x3030] =	vst @!p2 v1  }
.LBB2_2:
0x4f: {  	[tilespmem:$0x30B0] =	vst @!p2 v0;
	s17 =	sadd.s32 $0x80, s17;
	s21 =	smov.u32 s18;
	s18 =	sadd.s32 $0x2, s18  }
0x50: {  	[tilespmem:s28], [sflag:$0x1] =	stream.indirect.gather @!p2 [hbm4b:s4+s24], $0x90, s26, s24, $0xb8;
	[tilespmem:$0x1DC80] =	vst v63  }
0x51: {  	p1 =	sne.s32 s18, $0xC2;
	_ =	swait.ge @!p0 [sflag:s23], $0x2400  }
0x52: {  	[sflag:s23] =	ssyncset.done @!p0 $0x0  }
0x53: {  	[sflag:s23] =	ssyncadd.s32 @!p0 $0xFFFFDC00  }
0x54: {  	[spmem:s2] =	stream.indirect.scatter.add.f32 @!p0 [tilespmem:s20], [sflag:$0x3], $0x90, s25, s19, $0xb8;
	[tilespmem:$0x1DC80] =	vst v63  }
0x55: {  	_ =	swait.ge @!p0 [sflag:s22], $0x2400  }
0x56: {  	s19 =	sadd.s32 $0xFFFFFFFF, s21;
	[sflag:s22] =	ssyncset.done @!p0 $0x0  }
0x57: {  	[sflag:s22] =	ssyncadd.s32 @!p0 $0xFFFFDC00;
	p0 =	sge.u32 s19, s5  }
0x58: {  	v0 =	vld @!p0 [tilespmem:s17+$0xFFFFFFE0];
	_ =	sdelay $0x4  }
0x59: {  	v1 =	vand.u32 @!p0 $0xFFFF, v0;
	v0 =	vshrl.u32 @!p0 v0, $0x10  }
0x5a: {  	[tilespmem:$0x3040] =	vst @!p0 v1  }
0x5b: {  	[tilespmem:$0x30C0] =	vst @!p0 v0  }
0x5c: {  	v0 =	vld @!p0 [tilespmem:s17+$0xFFFFFFF0];
	_ =	sdelay $0x4  }
0x5d: {  	v1 =	vand.u32 @!p0 $0xFFFF, v0;
	v0 =	vshrl.u32 @!p0 v0, $0x10  }
0x5e: {  	[tilespmem:$0x3050] =	vst @!p0 v1  }
0x5f: {  	[tilespmem:$0x30D0] =	vst @!p0 v0  }
0x60: {  	v0 =	vld @!p0 [tilespmem:s17+$0x0];
	_ =	sdelay $0x4  }
0x61: {  	v1 =	vand.u32 @!p0 $0xFFFF, v0;
	v0 =	vshrl.u32 @!p0 v0, $0x10  }
0x62: {  	[tilespmem:$0x3060] =	vst @!p0 v1  }
0x63: {  	[tilespmem:$0x30E0] =	vst @!p0 v0  }
0x64: {  	v0 =	vld @!p0 [tilespmem:s17+$0x10];
	_ =	sdelay $0x1  }
0x65: {  	s20 =	sadd.s32 $0xFFFFFFFE, s21  }
0x66: {  	p2 =	sge.u32 s20, s5;
	s19 =	simm.s32 @!p0 $0x40;
	s22 =	simm.s32 @!p0 $0x3040  }
0x67: {  	s23 =	simm.s32 @!p2 $0x1  }
0x68: {  	v1 =	vand.u32 @!p0 $0xFFFF, v0;
	v0 =	vshrl.u32 @!p0 v0, $0x10  }
0x69: {  	s24 =	simm.s32 @!p2 $0x4;
	s20 =	simm.s32 @!p0 $0x5500;
	[tilespmem:$0x3070] =	vst @!p0 v1  }
0x6a: {  	s25 =	simm.s32 @!p2 $0x40;
	s26 =	simm.s32 @!p2 $0x3080;
	s28 =	simm.s32 @!p2 $0x3100;
	[tilespmem:$0x30F0] =	vst @!p0 v0  }
0x6b: {  	[tilespmem:s20], [sflag:$0x2] =	stream.indirect.gather @!p0 [hbm4b:s4+s19], $0x90, s22, s19, $0xb8;
	[tilespmem:$0x1DC80] =	vst v63  }
0x6c: {  	_ =	swait.ge @!p2 [sflag:s23], $0x2400  }
0x6d: {  	[sflag:s23] =	ssyncset.done @!p2 $0x0  }
0x6e: {  	[sflag:s23] =	ssyncadd.s32 @!p2 $0xFFFFDC00  }
0x6f: {  	[spmem:s2] =	stream.indirect.scatter.add.f32 @!p2 [tilespmem:s28], [sflag:$0x4], $0x90, s26, s25, $0xb8;
	[tilespmem:$0x1DC80] =	vst v63  }
0x70: {  	_ =	swait.ge @!p2 [sflag:s24], $0x2400  }
0x71: {  	[sflag:s24] =	ssyncset.done @!p2 $0x0  }
0x72: {  	[sflag:s24] =	ssyncadd.s32 @!p2 $0xFFFFDC00;
	p2 =	sge.u32 s21, s5  }
0x73: {  	v0 =	vld @!p2 [tilespmem:s17+$0x20];
	_ =	sdelay $0x4  }
0x74: {  	v1 =	vand.u32 @!p2 $0xFFFF, v0;
	v0 =	vshrl.u32 @!p2 v0, $0x10  }
0x75: {  	[tilespmem:$0x3000] =	vst @!p2 v1  }
0x76: {  	[tilespmem:$0x3080] =	vst @!p2 v0  }
0x77: {  	v0 =	vld @!p2 [tilespmem:s17+$0x30];
	_ =	sdelay $0x4  }
0x78: {  	v1 =	vand.u32 @!p2 $0xFFFF, v0;
	v0 =	vshrl.u32 @!p2 v0, $0x10  }
0x79: {  	[tilespmem:$0x3010] =	vst @!p2 v1  }
0x7a: {  	[tilespmem:$0x3090] =	vst @!p2 v0  }
0x7b: {  	v0 =	vld @!p2 [tilespmem:s17+$0x40];
	_ =	sdelay $0x4  }
0x7c: {  	v1 =	vand.u32 @!p2 $0xFFFF, v0;
	v0 =	vshrl.u32 @!p2 v0, $0x10  }
0x7d: {  	[tilespmem:$0x3020] =	vst @!p2 v1  }
0x7e: {  	s24 =	simm.s32 @!p2 $0x40;
	s26 =	simm.s32 @!p2 $0x3000;
	s28 =	simm.s32 @!p2 $0x3100;
	[tilespmem:$0x30A0] =	vst @!p2 v0  }
0x7f: {  	s23 =	simm.s32 @!p0 $0x2;
	v0 =	vld @!p2 [tilespmem:s17+$0x50];
	_ =	sdelay $0x1  }
.Ltmp0:
0x80: {  	(pc) =	sbr.rel @p1 .LBB2_2-.Ltmp0, $4  }
0x81: {  	s25 =	simm.s32 @!p0 $0x30C0  }
0x82: {  	s22 =	simm.s32 @!p0 $0x3  }
0x83: {  	v1 =	vand.u32 @!p2 $0xFFFF, v0;
	v0 =	vshrl.u32 @!p2 v0, $0x10  }
0x84: {  	[tilespmem:$0x3030] =	vst @!p2 v1  }
0x85: {  	[tilespmem:$0x30B0] =	vst @!p2 v0  }
0x86: {  	[tilespmem:s28], [sflag:$0x1] =	stream.indirect.gather @!p2 [hbm4b:s4+s24], $0x90, s26, s24, $0xb8;
	[tilespmem:$0x1DC80] =	vst v63  }
0x87: {  	_ =	swait.ge @!p0 [sflag:s23], $0x2400  }
0x88: {  	[sflag:s23] =	ssyncset.done @!p0 $0x0  }
0x89: {  	[sflag:s23] =	ssyncadd.s32 @!p0 $0xFFFFDC00  }
0x8a: {  	[spmem:s2] =	stream.indirect.scatter.add.f32 @!p0 [tilespmem:s20], [sflag:$0x3], $0x90, s25, s19, $0xb8;
	[tilespmem:$0x1DC80] =	vst v63  }
0x8b: {  	_ =	swait.ge @!p0 [sflag:s22], $0x2400  }
0x8c: {  	s16 =	sadd.s32 $0x1, s16;
	[sflag:s22] =	ssyncset.done @!p0 $0x0  }
0x8d: {  	[sflag:s22] =	ssyncadd.s32 @!p0 $0xFFFFDC00;
	p0 =	sne.s32 s16, s10  }
.Ltmp1:
0x8e: {  	[bflag:$0x0] =	sbarrier.arrive $0xFFFF;
	(pc) =	sbr.rel @p0 .LBB2_1-.Ltmp1, $4  }
0x8f: {  	[hbm:s9], [sflag:s7] =	dma.local [spmem:s11], $0x2C70  }
0x90: {  	_ =	swait.ge [sflag:s12], $0x2C70  }
0x91: {  	[sflag:s12] =	ssyncset.done $0x0  }
0x92: {  	[sflag:s12] =	ssyncadd.s32 $0xFFFFD390  }
0x93: {  	_ =	sfence.sel $0x180000  }
0x94: {  	[bflag:$0x0] =	sbarrier.arrive $0xFFFF  }
0x95: {  	p0 =	sne.s32 s1, $0x0;
	_ =	strace $0x90000047  }
0x96: {  	s0 =	sadd.s32 @!p0 $0x100000, s0;
	[bflag:$0x2] =	sbarrier.arrive $0xFFFF  }
0x97: {  	[sflag:s0] =	ssyncadd.tile.s32 @!p0 $0x1;
	_ =	shalt  }
.Lfunc_end2:
_tile_overlayer_lowered:
.L_overlay_start_2:
0x98: {  	(tag) =	ssettag $0x2  }
0x99: {  	s0 =	rddreg [dreg:$0x0];
	s2 =	stileid.u32  }
0x9a: {  	s1 =	rddreg [dreg:$0x1];
	p0 =	sne.s32 s2, $0x0  }
0x9b: {  	s3 =	rddreg [dreg:$0x2];
	[bflag:$0x3] =	sbarrier.arrive $0xFFFF;
	s2 =	simm.s32 @!p0 $0x1C03  }
0x9c: {  	[timem:s3], [sflag:s2] =	dma.local @!p0 [hbm:s0], s1  }
0x9d: {  	s0 =	simm.s32 @!p0 $0x3  }
0x9e: {  	_ =	swait.ge @!p0 [sflag:s0], s1  }
0x9f: {  	s1 =	ssub.s32 @!p0 $0x0, s1;
	[sflag:s0] =	ssyncset.done @!p0 $0x0  }
0xa0: {  	[sflag:s0] =	ssyncadd.s32 @!p0 s1  }
0xa1: {  	[bflag:$0x3] =	sbarrier.arrive $0xFFFF  }
0xa2: {  	_ =	shalt  }

</sc_bundles>
